<compile_context>
chip_gen: v7x
topology: tpu7x:2x2x1
jax: 0.10.2.dev20260603
libtpu: 0.0.44.dev20260713+nightly
codegen_flags: <defaults>
</compile_context>

<pallas_src>
import functools

import jax
import jax.numpy as jnp
from jax import lax
from jax.experimental import pallas as pl
from jax.experimental.pallas import tpu as pltpu
from jax.experimental.pallas import tpu_sc as plsc

_N_E = 8192
_E = 256
_T = 512
_C = 1024
_NT = (8 * 32 * 32) // _T
_NC = _N_E // _C
_TOK = 8 * 32 * 32
_EPS = 5e-7


def _dist_body(z_ref, w_ref, idx_ref, loss_ref, emb_ref, e_ref, d_ref):
    def norm_block(b, _):
        w = w_ref[pl.ds(b * 512, 512), :]
        n = jnp.sqrt(jnp.sum(w * w, axis=1, keepdims=True))
        embb = w / jnp.maximum(n, 1e-12)
        emb_ref[pl.ds(b * 512, 512), :] = embb
        e_ref[0, pl.ds(b * 512, 512)] = jnp.sum(embb * embb, axis=1)
        return 0

    lax.fori_loop(0, _N_E // 512, norm_block, 0)

    cols0 = lax.broadcasted_iota(jnp.int32, (_T, _C), 1)
    colsf = cols0.astype(jnp.float32)

    def tile_body(ti, loss_acc):
        zt = z_ref[pl.ds(ti * _T, _T), :]
        zn = zt / jnp.maximum(
            jnp.sqrt(jnp.sum(zt * zt, axis=1, keepdims=True)), 1e-12)
        zn2 = jnp.sum(zn * zn, axis=1, keepdims=True)

        def chunk_top2(j):
            wj = emb_ref[pl.ds(j * _C, _C), :]
            s = lax.dot_general(zn, wj, (((1,), (1,)), ((), ())),
                                preferred_element_type=jnp.float32)
            q = e_ref[0:1, pl.ds(j * _C, _C)] * 0.5 - s
            qmin_c = jnp.min(q, axis=1, keepdims=True)
            t = q == qmin_c
            idx_c = jnp.min(jnp.where(t, colsf, jnp.float32(2.0 * _N_E)),
                            axis=1, keepdims=True) + jnp.float32(j * _C)
            q2_c = jnp.min(jnp.where(t, jnp.inf, q), axis=1, keepdims=True)
            return qmin_c, q2_c, idx_c

        def merge(a, b):
            a1, a2, ai = a
            b1, b2, bi = b
            return (jnp.minimum(a1, b1),
                    jnp.minimum(jnp.minimum(a2, b2), jnp.maximum(a1, b1)),
                    jnp.where(b1 < a1, bi, ai))

        tops = [chunk_top2(j) for j in range(_NC)]
        while len(tops) > 1:
            tops = [merge(tops[k], tops[k + 1]) for k in range(0, len(tops), 2)]
        m1, m2, idx_fast = tops[0]

        dmin_fast = zn2 + 2.0 * m1
        has_tie = jnp.any(m2 < m1 + _EPS)

        def _slow():
            def sp1(j, dmin):
                wj = emb_ref[pl.ds(j * _C, _C), :]
                s = lax.dot_general(zn, wj, (((1,), (1,)), ((), ())),
                                    preferred_element_type=jnp.float32)
                d = (zn2 + e_ref[0, pl.ds(j * _C, _C)][None, :]) - 2.0 * s
                d_ref[:, pl.ds(j * _C, _C)] = d
                return jnp.minimum(dmin, jnp.min(d, axis=1))

            dmin = lax.fori_loop(0, _NC, sp1,
                                 jnp.full((_T,), jnp.inf, jnp.float32))

            def sp2(j, z_acc):
                d = d_ref[:, pl.ds(j * _C, _C)]
                u = jnp.exp((dmin[:, None] - d) * 0.5)
                d_ref[:, pl.ds(j * _C, _C)] = u
                return z_acc + jnp.sum(u, axis=1)

            zsum = lax.fori_loop(0, _NC, sp2, jnp.zeros((_T,), jnp.float32))
            pmax = 1.0 / zsum

            def sp3(j, best):
                u = d_ref[:, pl.ds(j * _C, _C)]
                p = u / zsum[:, None]
                cand = jnp.where(p == pmax[:, None], cols0 + j * _C, _N_E)
                return jnp.minimum(best, jnp.min(cand, axis=1))

            return lax.fori_loop(0, _NC, sp3,
                                 jnp.full((_T,), _N_E, jnp.int32))

        idx = lax.cond(has_tie, _slow,
                       lambda: idx_fast[:, 0].astype(jnp.int32))
        idx_ref[0, pl.ds(ti * _T, _T)] = idx
        return loss_acc + jnp.sum(dmin_fast)

    loss = lax.fori_loop(0, _NT, tile_body, jnp.float32(0.0))
    loss_ref[0, 0] = loss * (2.25 / float(_TOK * _E))


_dist_call = pl.pallas_call(
    _dist_body,
    in_specs=[pl.BlockSpec((_TOK, _E), lambda: (0, 0)),
              pl.BlockSpec((_N_E, _E), lambda: (0, 0))],
    out_specs=[pl.BlockSpec((1, _TOK), lambda: (0, 0)),
               pl.BlockSpec((1, 1), lambda: (0, 0),
                            memory_space=pltpu.SMEM)],
    out_shape=[jax.ShapeDtypeStruct((1, _TOK), jnp.int32),
               jax.ShapeDtypeStruct((1, 1), jnp.float32)],
    scratch_shapes=[pltpu.VMEM((_N_E, _E), jnp.float32),
                    pltpu.VMEM((1, _N_E), jnp.float32),
                    pltpu.VMEM((_T, _N_E), jnp.float32)],
)


def _make_gather():
    info = plsc.get_sparse_core_info()
    nw = info.num_cores * info.num_subcores
    bpw = _N_E // nw
    mesh = plsc.VectorSubcoreMesh(core_axis_name="c", subcore_axis_name="s")

    @functools.partial(
        pl.kernel, mesh=mesh,
        out_type=jax.ShapeDtypeStruct((_N_E, _E), jnp.float32),
        scratch_types=[
            pltpu.VMEM((bpw,), jnp.int32),
            pltpu.VMEM((bpw, _E), jnp.float32),
            pltpu.SemaphoreType.DMA,
        ],
    )
    def _gather(table_hbm, idx_hbm, out_hbm, idx_v, rows_v, sem):
        wid = lax.axis_index("s") * info.num_cores + lax.axis_index("c")
        base = wid * bpw
        pltpu.sync_copy(idx_hbm.at[pl.ds(base, bpw)], idx_v)
        pltpu.async_copy(table_hbm.at[idx_v], rows_v, sem).wait()
        pltpu.sync_copy(rows_v, out_hbm.at[pl.ds(base, bpw)])

    return _gather


def kernel(z, W):
    z_flat = jnp.transpose(z, (0, 2, 3, 1)).reshape(_TOK, _E)
    idx2, loss = _dist_call(z_flat, W)
    idx = idx2.reshape(_TOK)
    zq_rows = _make_gather()(W, idx)
    z_q = zq_rows.reshape(8, 32, 32, _E).transpose(0, 3, 1, 2)
    return z_q, idx.reshape(-1, 1), loss.reshape(())

# --- scband reference (transcript-rebuilt; emitter-appended) ---
"""Pipeline reference for scband-ibq-8933531975956 (READ-ONLY COPY).

The authoritative reference and input builder live on the scoring server;
editing this copy changes nothing except your own understanding.
"""

import jax, jax.numpy as jnp
import numpy as np

N_E = 8192
E_DIM = 256
TEMP = 2.0
BETA = 0.25

def _l2norm(x, axis=-1, eps=1e-12):
    n = jnp.sqrt(jnp.sum(x * x, axis=axis, keepdims=True))
    return x / jnp.maximum(n, eps)

def setup_inputs(seed: int = 0) -> dict:
    key = jax.random.key(seed)
    k1, k2 = jax.random.split(key)
    z = jax.random.normal(k1, (8, 256, 32, 32), dtype=jnp.float32)
    W = jax.random.uniform(k2, (N_E, E_DIM), minval=-1.0 / N_E, maxval=1.0 / N_E, dtype=jnp.float32)
    W = _l2norm(W, axis=-1)
    return {"z": z, "W": W}

def reference(z, W):
    # b c h w -> b h w c
    z_t = jnp.transpose(z, (0, 2, 3, 1))
    z_flat = z_t.reshape(-1, E_DIM)
    # l2_norm=True branch
    z_n = _l2norm(z_t, axis=-1)
    z_flat_n = _l2norm(z_flat, axis=-1)
    emb_n = _l2norm(W, axis=-1)
    d = (jnp.sum(z_flat_n ** 2, axis=1, keepdims=True)
         + jnp.sum(emb_n ** 2, axis=1)
         - 2.0 * (z_flat_n @ emb_n.T))
    # training path (torch module default training=True)
    logits = -d / TEMP
    soft_one_hot = jax.nn.softmax(logits, axis=1)
    min_encoding_indices = jnp.argmax(soft_one_hot, axis=1)
    hard_one_hot = jax.nn.one_hot(min_encoding_indices, N_E, dtype=logits.dtype)
    one_hot = hard_one_hot - jax.lax.stop_gradient(soft_one_hot) + soft_one_hot
    z_q = (one_hot @ W).reshape(z_n.shape)
    z_q_2 = (hard_one_hot @ W).reshape(z_n.shape)
    commit_loss = (jnp.mean((z_q - z_n) ** 2)
                   + jnp.mean((jax.lax.stop_gradient(z_q_2) - z_n) ** 2)
                   + BETA * jnp.mean((z_q_2 - jax.lax.stop_gradient(z_n)) ** 2))
    z_q = jnp.transpose(z_q, (0, 3, 1, 2))
    return (z_q, min_encoding_indices.reshape(-1, 1), commit_loss)

if __name__ == "__main__":
    import jax
    _d = setup_inputs()
    print(jax.jit(kernel)(*tuple(_d.values())))

</pallas_src>

<mosaic_0001>
#map = affine_map<(d0, d1) -> (0, 0)>
#map1 = affine_map<(d0, d1) -> (0)>
module attributes {stable_mosaic.version = 14 : i64} {
  func.func @_gather(%arg0: i32, %arg1: i32, %arg2: memref<8192x256xf32, #tpu.memory_space<hbm>>, %arg3: memref<8192xi32, #tpu.memory_space<hbm>>, %arg4: memref<8192x256xf32, #tpu.memory_space<hbm>>, %arg5: memref<256xi32, #tpu.memory_space<vmem>>, %arg6: memref<256x256xf32, #tpu.memory_space<vmem>>, %arg7: memref<!tpu.dma_semaphore, #tpu.memory_space<semaphore_mem>>) attributes {dimension_semantics = [#tpu.dimension_semantics<core_parallel>, #tpu.dimension_semantics<subcore_parallel>], iteration_bounds = array<i64: 2, 16>, scalar_prefetch = 0 : i64, scratch_operands = 3 : i64, tpu.core_type = #tpu.core_type<sc_vector_subcore>, window_params = [{transform_indices = #map}, {transform_indices = #map1}, {transform_indices = #map}]} {
    %mul3A = arith.constant 2 : i32
    %mul3A_0 = arith.muli %arg1, %mul3A : i32
    %add3A = arith.addi %mul3A_0, %arg0 : i32
    %mul3A_1 = arith.constant 256 : i32
    %mul3A_2 = arith.muli %add3A, %mul3A_1 : i32
    "tpu.region"() ({
      %run_scoped3A = tpu.sem_alloc : memref<!tpu.dma_semaphore, #tpu.memory_space<semaphore_mem>>
      %dma_start3A_7 = tpu.memref_slice %arg3[%mul3A_2] : memref<8192xi32, #tpu.memory_space<hbm>> -> memref<256xi32, #tpu.memory_space<hbm>>
      %dma_start3A_8 = tpu.memref_slice %arg3[%mul3A_2] : memref<8192xi32, #tpu.memory_space<hbm>> -> memref<256xi32, #tpu.memory_space<hbm>>
      tpu.enqueue_dma source(%dma_start3A_8 : memref<256xi32, #tpu.memory_space<hbm>>) target(%arg5 : memref<256xi32, #tpu.memory_space<vmem>>) target_semaphore(%run_scoped3A : memref<!tpu.dma_semaphore, #tpu.memory_space<semaphore_mem>>)
      %dma_wait3A_9 = tpu.memref_slice %arg3[%mul3A_2] : memref<8192xi32, #tpu.memory_space<hbm>> -> memref<256xi32, #tpu.memory_space<hbm>>
      %dma_wait3A_10 = tpu.memref_slice %arg3[%mul3A_2] : memref<8192xi32, #tpu.memory_space<hbm>> -> memref<256xi32, #tpu.memory_space<hbm>>
      tpu.wait_dma2 semaphore(%run_scoped3A : memref<!tpu.dma_semaphore, #tpu.memory_space<semaphore_mem>>) src(%dma_wait3A_10 : memref<256xi32, #tpu.memory_space<hbm>>) dst(%arg5 : memref<256xi32, #tpu.memory_space<vmem>>)
      tpu.yield
    }) : () -> ()
    %dma_start3A = arith.constant 0 : i32
    %dma_start3A_3 = arith.constant 0 : i32
    %dma_start3A_4 = tpu.memref_slice %arg2[%dma_start3A, %dma_start3A_3] : memref<8192x256xf32, #tpu.memory_space<hbm>> -> memref<8192x256xf32, #tpu.memory_space<hbm>>
    tpu.enqueue_indirect_dma source(%dma_start3A_4 : memref<8192x256xf32, #tpu.memory_space<hbm>>) target(%arg6 : memref<256x256xf32, #tpu.memory_space<vmem>>) offsets(%arg5 : memref<256xi32, #tpu.memory_space<vmem>>) semaphore(%arg7 : memref<!tpu.dma_semaphore, #tpu.memory_space<semaphore_mem>>)
    %dma_wait3A = arith.constant 0 : i32
    %dma_wait3A_5 = arith.constant 0 : i32
    %dma_wait3A_6 = tpu.memref_slice %arg2[%dma_wait3A, %dma_wait3A_5] : memref<8192x256xf32, #tpu.memory_space<hbm>> -> memref<8192x256xf32, #tpu.memory_space<hbm>>
    tpu.wait_indirect_dma semaphore(%arg7 : memref<!tpu.dma_semaphore, #tpu.memory_space<semaphore_mem>>) src(%dma_wait3A_6 : memref<8192x256xf32, #tpu.memory_space<hbm>>) dst(%arg6 : memref<256x256xf32, #tpu.memory_space<vmem>>)
    "tpu.region"() ({
      %run_scoped3A = tpu.sem_alloc : memref<!tpu.dma_semaphore, #tpu.memory_space<semaphore_mem>>
      %dma_start3A_7 = arith.constant 0 : i32
      %dma_start3A_8 = tpu.memref_slice %arg4[%mul3A_2, %dma_start3A_7] : memref<8192x256xf32, #tpu.memory_space<hbm>> -> memref<256x256xf32, #tpu.memory_space<hbm>>
      %dma_start3A_9 = arith.constant 0 : i32
      %dma_start3A_10 = tpu.memref_slice %arg4[%mul3A_2, %dma_start3A_9] : memref<8192x256xf32, #tpu.memory_space<hbm>> -> memref<256x256xf32, #tpu.memory_space<hbm>>
      tpu.enqueue_dma source(%arg6 : memref<256x256xf32, #tpu.memory_space<vmem>>) target(%dma_start3A_10 : memref<256x256xf32, #tpu.memory_space<hbm>>) target_semaphore(%run_scoped3A : memref<!tpu.dma_semaphore, #tpu.memory_space<semaphore_mem>>)
      %dma_wait3A_11 = arith.constant 0 : i32
      %dma_wait3A_12 = tpu.memref_slice %arg4[%mul3A_2, %dma_wait3A_11] : memref<8192x256xf32, #tpu.memory_space<hbm>> -> memref<256x256xf32, #tpu.memory_space<hbm>>
      %dma_wait3A_13 = arith.constant 0 : i32
      %dma_wait3A_14 = tpu.memref_slice %arg4[%mul3A_2, %dma_wait3A_13] : memref<8192x256xf32, #tpu.memory_space<hbm>> -> memref<256x256xf32, #tpu.memory_space<hbm>>
      tpu.wait_dma2 semaphore(%run_scoped3A : memref<!tpu.dma_semaphore, #tpu.memory_space<semaphore_mem>>) src(%arg6 : memref<256x256xf32, #tpu.memory_space<vmem>>) dst(%dma_wait3A_14 : memref<256x256xf32, #tpu.memory_space<hbm>>)
      tpu.yield
    }) : () -> ()
    return
  }
}

module attributes {stable_mosaic.version = 14 : i64} {
  func.func @_dist_body(%arg0: memref<8192x256xf32, #tpu.memory_space<vmem>>, %arg1: memref<8192x256xf32, #tpu.memory_space<vmem>>, %arg2: memref<1x8192xi32, #tpu.memory_space<vmem>>, %arg3: memref<1x1xf32, #tpu.memory_space<smem>>, %arg4: memref<8192x256xf32, #tpu.memory_space<vmem>>, %arg5: memref<1x8192xf32, #tpu.memory_space<vmem>>, %arg6: memref<512x8192xf32, #tpu.memory_space<vmem>>) attributes {dimension_semantics = [], scalar_prefetch = 0 : i64, scratch_operands = 3 : i64, tpu.core_type = #tpu.core_type<tc>} {
    %scan3A = arith.constant 0 : i32
    %scan3A_0 = arith.constant 16 : i32
    %scan3A_1 = arith.addi %scan3A, %scan3A_0 : i32
    %scan3A_2 = arith.constant 1 : i32
    scf.for %scan3A_14 = %scan3A to %scan3A_1 step %scan3A_2  : i32 {
      %mul3A_15 = arith.constant 512 : i32
      %mul3A_16 = arith.muli %scan3A_14, %mul3A_15 : i32
      %get3A = arith.index_cast %mul3A_16 : i32 to index
      %get3A_17 = arith.constant 0 : index
      %get3A_18 = vector.load %arg1[%get3A, %get3A_17] : memref<8192x256xf32, #tpu.memory_space<vmem>>, vector<512x256xf32>
      %mul3A_19 = arith.mulf %get3A_18, %get3A_18 : vector<512x256xf32>
      %reduce_sum3A = arith.constant dense<0.000000e+00> : vector<512xf32>
      %reduce_sum3A_20 = vector.multi_reduction <add>, %mul3A_19, %reduce_sum3A [1] : vector<512x256xf32> to vector<512xf32>
      %broadcast_in_dim3A = vector.shape_cast %reduce_sum3A_20 : vector<512xf32> to vector<512x1xf32>
      %sqrt3A = math.sqrt %broadcast_in_dim3A : vector<512x1xf32>
      %max3A = arith.constant 9.99999996E-13 : f32
      %max3A_21 = vector.broadcast %max3A : f32 to vector<512x1xf32>
      %max3A_22 = arith.maximumf %sqrt3A, %max3A_21 : vector<512x1xf32>
      %div3A = vector.broadcast %max3A_22 : vector<512x1xf32> to vector<512x256xf32>
      %div3A_23 = arith.divf %get3A_18, %div3A : vector<512x256xf32>
      %mul3A_24 = arith.constant 512 : i32
      %mul3A_25 = arith.muli %scan3A_14, %mul3A_24 : i32
      %swap3A_26 = arith.index_cast %mul3A_25 : i32 to index
      %swap3A_27 = arith.constant 0 : index
      %swap3A_28 = vector.load %arg4[%swap3A_26, %swap3A_27] : memref<8192x256xf32, #tpu.memory_space<vmem>>, vector<512x256xf32>
      tpu.vector_store %arg4[%swap3A_26, %swap3A_27], %div3A_23 {strides = array<i32>} : memref<8192x256xf32, #tpu.memory_space<vmem>>, vector<512x256xf32>,
      %mul3A_29 = arith.mulf %div3A_23, %div3A_23 : vector<512x256xf32>
      %reduce_sum3A_30 = arith.constant dense<0.000000e+00> : vector<512xf32>
      %reduce_sum3A_31 = vector.multi_reduction <add>, %mul3A_29, %reduce_sum3A_30 [1] : vector<512x256xf32> to vector<512xf32>
      %mul3A_32 = arith.constant 512 : i32
      %mul3A_33 = arith.muli %scan3A_14, %mul3A_32 : i32
      %swap3A_34 = arith.constant 0 : index
      %swap3A_35 = arith.index_cast %mul3A_33 : i32 to index
      %swap3A_36 = vector.load %arg5[%swap3A_34, %swap3A_35] : memref<1x8192xf32, #tpu.memory_space<vmem>>, vector<1x512xf32>
      %swap3A_37 = vector.shape_cast %swap3A_36 : vector<1x512xf32> to vector<512xf32>
      %swap3A_38 = vector.shape_cast %reduce_sum3A_31 : vector<512xf32> to vector<1x512xf32>
      tpu.vector_store %arg5[%swap3A_34, %swap3A_35], %swap3A_38 {strides = array<i32>} : memref<1x8192xf32, #tpu.memory_space<vmem>>, vector<1x512xf32>,
    }
    %scan3A_3 = arith.constant 16 : i32
    %iota3A = tpu.iota {dimensions = array<i32: 1>} : vector<512x1024xi32>
    %convert_element_type3A = arith.sitofp %iota3A : vector<512x1024xi32> to vector<512x1024xf32>
    %scan3A_4 = arith.constant 0.000000e+00 : f32
    %scan3A_5 = arith.constant 0 : i32
    %scan3A_6 = arith.constant 16 : i32
    %scan3A_7 = arith.addi %scan3A_5, %scan3A_6 : i32
    %scan3A_8 = arith.constant 1 : i32
    %scan3A_9 = scf.for %scan3A_14 = %scan3A_5 to %scan3A_7 step %scan3A_8 iter_args(%scan3A_15 = %scan3A_4) -> (f32)  : i32 {
      %mul3A_16 = arith.constant 512 : i32
      %mul3A_17 = arith.muli %scan3A_14, %mul3A_16 : i32
      %get3A = arith.index_cast %mul3A_17 : i32 to index
      %get3A_18 = arith.constant 0 : index
      %get3A_19 = vector.load %arg0[%get3A, %get3A_18] : memref<8192x256xf32, #tpu.memory_space<vmem>>, vector<512x256xf32>
      %mul3A_20 = arith.mulf %get3A_19, %get3A_19 : vector<512x256xf32>
      %reduce_sum3A = arith.constant dense<0.000000e+00> : vector<512xf32>
      %reduce_sum3A_21 = vector.multi_reduction <add>, %mul3A_20, %reduce_sum3A [1] : vector<512x256xf32> to vector<512xf32>
      %broadcast_in_dim3A = vector.shape_cast %reduce_sum3A_21 : vector<512xf32> to vector<512x1xf32>
      %sqrt3A = math.sqrt %broadcast_in_dim3A : vector<512x1xf32>
      %max3A = arith.constant 9.99999996E-13 : f32
      %max3A_22 = vector.broadcast %max3A : f32 to vector<512x1xf32>
      %max3A_23 = arith.maximumf %sqrt3A, %max3A_22 : vector<512x1xf32>
      %div3A = vector.broadcast %max3A_23 : vector<512x1xf32> to vector<512x256xf32>
      %div3A_24 = arith.divf %get3A_19, %div3A : vector<512x256xf32>
      %mul3A_25 = arith.mulf %div3A_24, %div3A_24 : vector<512x256xf32>
      %reduce_sum3A_26 = arith.constant dense<0.000000e+00> : vector<512xf32>
      %reduce_sum3A_27 = vector.multi_reduction <add>, %mul3A_25, %reduce_sum3A_26 [1] : vector<512x256xf32> to vector<512xf32>
      %broadcast_in_dim3A_28 = vector.shape_cast %reduce_sum3A_27 : vector<512xf32> to vector<512x1xf32>
      %get3A_29 = arith.constant 0 : index
      %get3A_30 = arith.constant 0 : index
      %get3A_31 = vector.load %arg4[%get3A_29, %get3A_30] : memref<8192x256xf32, #tpu.memory_space<vmem>>, vector<1024x256xf32>
      %dot_general3A = arith.constant dense<0.000000e+00> : vector<512x1024xf32>
      %dot_general3A_32 = tpu.matmul %div3A_24, %get3A_31, %dot_general3A {dimension_numbers = #tpu.dot_dimension_numbers<[1], [1], [0], [0], [0, 0, 1, 0], [], []>, transpose_lhs_hint = false} : vector<512x256xf32>, vector<1024x256xf32>, vector<512x1024xf32> -> vector<512x1024xf32>
      %get3A_33 = arith.constant 0 : index
      %get3A_34 = arith.constant 0 : index
      %get3A_35 = vector.load %arg5[%get3A_33, %get3A_34] : memref<1x8192xf32, #tpu.memory_space<vmem>>, vector<1x1024xf32>
      %mul3A_36 = arith.constant 5.000000e-01 : f32
      %mul3A_37 = vector.broadcast %mul3A_36 : f32 to vector<1x1024xf32>
      %mul3A_38 = arith.mulf %get3A_35, %mul3A_37 : vector<1x1024xf32>
      %sub3A = vector.broadcast %mul3A_38 : vector<1x1024xf32> to vector<512x1024xf32>
      %sub3A_39 = arith.subf %sub3A, %dot_general3A_32 : vector<512x1024xf32>
      %reduce_min3A = arith.constant dense<0x7F800000> : vector<512xf32>
      %reduce_min3A_40 = vector.multi_reduction <minimumf>, %sub3A_39, %reduce_min3A [1] : vector<512x1024xf32> to vector<512xf32>
      %broadcast_in_dim3A_41 = vector.shape_cast %reduce_min3A_40 : vector<512xf32> to vector<512x1xf32>
      %eq3A = vector.broadcast %broadcast_in_dim3A_41 : vector<512x1xf32> to vector<512x1024xf32>
      %eq3A_42 = arith.cmpf oeq, %sub3A_39, %eq3A : vector<512x1024xf32>
      %jit3A = arith.constant 1.638400e+04 : f32
      %broadcast_in_dim3A_43 = vector.broadcast %jit3A : f32 to vector<512x1024xf32>
      %select_n3A = arith.select %eq3A_42, %convert_element_type3A, %broadcast_in_dim3A_43 : vector<512x1024xi1>, vector<512x1024xf32>
      %reduce_min3A_44 = arith.constant dense<0x7F800000> : vector<512xf32>
      %reduce_min3A_45 = vector.multi_reduction <minimumf>, %select_n3A, %reduce_min3A_44 [1] : vector<512x1024xf32> to vector<512xf32>
      %broadcast_in_dim3A_46 = vector.shape_cast %reduce_min3A_45 : vector<512xf32> to vector<512x1xf32>
      %add3A = arith.constant 0.000000e+00 : f32
      %add3A_47 = vector.broadcast %add3A : f32 to vector<512x1xf32>
      %add3A_48 = arith.addf %broadcast_in_dim3A_46, %add3A_47 : vector<512x1xf32>
      %jit3A_49 = arith.constant 0x7F800000 : f32
      %broadcast_in_dim3A_50 = vector.broadcast %jit3A_49 : f32 to vector<512x1024xf32>
      %select_n3A_51 = arith.select %eq3A_42, %broadcast_in_dim3A_50, %sub3A_39 : vector<512x1024xi1>, vector<512x1024xf32>
      %reduce_min3A_52 = arith.constant dense<0x7F800000> : vector<512xf32>
      %reduce_min3A_53 = vector.multi_reduction <minimumf>, %select_n3A_51, %reduce_min3A_52 [1] : vector<512x1024xf32> to vector<512xf32>
      %broadcast_in_dim3A_54 = vector.shape_cast %reduce_min3A_53 : vector<512xf32> to vector<512x1xf32>
      %get3A_55 = arith.constant 1024 : index
      %get3A_56 = arith.constant 0 : index
      %get3A_57 = vector.load %arg4[%get3A_55, %get3A_56] : memref<8192x256xf32, #tpu.memory_space<vmem>>, vector<1024x256xf32>
      %dot_general3A_58 = arith.constant dense<0.000000e+00> : vector<512x1024xf32>
      %dot_general3A_59 = tpu.matmul %div3A_24, %get3A_57, %dot_general3A_58 {dimension_numbers = #tpu.dot_dimension_numbers<[1], [1], [0], [0], [0, 0, 1, 0], [], []>, transpose_lhs_hint = false} : vector<512x256xf32>, vector<1024x256xf32>, vector<512x1024xf32> -> vector<512x1024xf32>
      %get3A_60 = arith.constant 0 : index
      %get3A_61 = arith.constant 1024 : index
      %get3A_62 = vector.load %arg5[%get3A_60, %get3A_61] : memref<1x8192xf32, #tpu.memory_space<vmem>>, vector<1x1024xf32>
      %mul3A_63 = arith.constant 5.000000e-01 : f32
      %mul3A_64 = vector.broadcast %mul3A_63 : f32 to vector<1x1024xf32>
      %mul3A_65 = arith.mulf %get3A_62, %mul3A_64 : vector<1x1024xf32>
      %sub3A_66 = vector.broadcast %mul3A_65 : vector<1x1024xf32> to vector<512x1024xf32>
      %sub3A_67 = arith.subf %sub3A_66, %dot_general3A_59 : vector<512x1024xf32>
      %reduce_min3A_68 = arith.constant dense<0x7F800000> : vector<512xf32>
      %reduce_min3A_69 = vector.multi_reduction <minimumf>, %sub3A_67, %reduce_min3A_68 [1] : vector<512x1024xf32> to vector<512xf32>
      %broadcast_in_dim3A_70 = vector.shape_cast %reduce_min3A_69 : vector<512xf32> to vector<512x1xf32>
      %eq3A_71 = vector.broadcast %broadcast_in_dim3A_70 : vector<512x1xf32> to vector<512x1024xf32>
      %eq3A_72 = arith.cmpf oeq, %sub3A_67, %eq3A_71 : vector<512x1024xf32>
      %jit3A_73 = arith.constant 1.638400e+04 : f32
      %broadcast_in_dim3A_74 = vector.broadcast %jit3A_73 : f32 to vector<512x1024xf32>
      %select_n3A_75 = arith.select %eq3A_72, %convert_element_type3A, %broadcast_in_dim3A_74 : vector<512x1024xi1>, vector<512x1024xf32>
      %reduce_min3A_76 = arith.constant dense<0x7F800000> : vector<512xf32>
      %reduce_min3A_77 = vector.multi_reduction <minimumf>, %select_n3A_75, %reduce_min3A_76 [1] : vector<512x1024xf32> to vector<512xf32>
      %broadcast_in_dim3A_78 = vector.shape_cast %reduce_min3A_77 : vector<512xf32> to vector<512x1xf32>
      %add3A_79 = arith.constant 1.024000e+03 : f32
      %add3A_80 = vector.broadcast %add3A_79 : f32 to vector<512x1xf32>
      %add3A_81 = arith.addf %broadcast_in_dim3A_78, %add3A_80 : vector<512x1xf32>
      %jit3A_82 = arith.constant 0x7F800000 : f32
      %broadcast_in_dim3A_83 = vector.broadcast %jit3A_82 : f32 to vector<512x1024xf32>
      %select_n3A_84 = arith.select %eq3A_72, %broadcast_in_dim3A_83, %sub3A_67 : vector<512x1024xi1>, vector<512x1024xf32>
      %reduce_min3A_85 = arith.constant dense<0x7F800000> : vector<512xf32>
      %reduce_min3A_86 = vector.multi_reduction <minimumf>, %select_n3A_84, %reduce_min3A_85 [1] : vector<512x1024xf32> to vector<512xf32>
      %broadcast_in_dim3A_87 = vector.shape_cast %reduce_min3A_86 : vector<512xf32> to vector<512x1xf32>
      %get3A_88 = arith.constant 2048 : index
      %get3A_89 = arith.constant 0 : index
      %get3A_90 = vector.load %arg4[%get3A_88, %get3A_89] : memref<8192x256xf32, #tpu.memory_space<vmem>>, vector<1024x256xf32>
      %dot_general3A_91 = arith.constant dense<0.000000e+00> : vector<512x1024xf32>
      %dot_general3A_92 = tpu.matmul %div3A_24, %get3A_90, %dot_general3A_91 {dimension_numbers = #tpu.dot_dimension_numbers<[1], [1], [0], [0], [0, 0, 1, 0], [], []>, transpose_lhs_hint = false} : vector<512x256xf32>, vector<1024x256xf32>, vector<512x1024xf32> -> vector<512x1024xf32>
      %get3A_93 = arith.constant 0 : index
      %get3A_94 = arith.constant 2048 : index
      %get3A_95 = vector.load %arg5[%get3A_93, %get3A_94] : memref<1x8192xf32, #tpu.memory_space<vmem>>, vector<1x1024xf32>
      %mul3A_96 = arith.constant 5.000000e-01 : f32
      %mul3A_97 = vector.broadcast %mul3A_96 : f32 to vector<1x1024xf32>
      %mul3A_98 = arith.mulf %get3A_95, %mul3A_97 : vector<1x1024xf32>
      %sub3A_99 = vector.broadcast %mul3A_98 : vector<1x1024xf32> to vector<512x1024xf32>
      %sub3A_100 = arith.subf %sub3A_99, %dot_general3A_92 : vector<512x1024xf32>
      %reduce_min3A_101 = arith.constant dense<0x7F800000> : vector<512xf32>
      %reduce_min3A_102 = vector.multi_reduction <minimumf>, %sub3A_100, %reduce_min3A_101 [1] : vector<512x1024xf32> to vector<512xf32>
      %broadcast_in_dim3A_103 = vector.shape_cast %reduce_min3A_102 : vector<512xf32> to vector<512x1xf32>
      %eq3A_104 = vector.broadcast %broadcast_in_dim3A_103 : vector<512x1xf32> to vector<512x1024xf32>
      %eq3A_105 = arith.cmpf oeq, %sub3A_100, %eq3A_104 : vector<512x1024xf32>
      %jit3A_106 = arith.constant 1.638400e+04 : f32
      %broadcast_in_dim3A_107 = vector.broadcast %jit3A_106 : f32 to vector<512x1024xf32>
      %select_n3A_108 = arith.select %eq3A_105, %convert_element_type3A, %broadcast_in_dim3A_107 : vector<512x1024xi1>, vector<512x1024xf32>
      %reduce_min3A_109 = arith.constant dense<0x7F800000> : vector<512xf32>
      %reduce_min3A_110 = vector.multi_reduction <minimumf>, %select_n3A_108, %reduce_min3A_109 [1] : vector<512x1024xf32> to vector<512xf32>
      %broadcast_in_dim3A_111 = vector.shape_cast %reduce_min3A_110 : vector<512xf32> to vector<512x1xf32>
      %add3A_112 = arith.constant 2.048000e+03 : f32
      %add3A_113 = vector.broadcast %add3A_112 : f32 to vector<512x1xf32>
      %add3A_114 = arith.addf %broadcast_in_dim3A_111, %add3A_113 : vector<512x1xf32>
      %jit3A_115 = arith.constant 0x7F800000 : f32
      %broadcast_in_dim3A_116 = vector.broadcast %jit3A_115 : f32 to vector<512x1024xf32>
      %select_n3A_117 = arith.select %eq3A_105, %broadcast_in_dim3A_116, %sub3A_100 : vector<512x1024xi1>, vector<512x1024xf32>
      %reduce_min3A_118 = arith.constant dense<0x7F800000> : vector<512xf32>
      %reduce_min3A_119 = vector.multi_reduction <minimumf>, %select_n3A_117, %reduce_min3A_118 [1] : vector<512x1024xf32> to vector<512xf32>
      %broadcast_in_dim3A_120 = vector.shape_cast %reduce_min3A_119 : vector<512xf32> to vector<512x1xf32>
      %get3A_121 = arith.constant 3072 : index
      %get3A_122 = arith.constant 0 : index
      %get3A_123 = vector.load %arg4[%get3A_121, %get3A_122] : memref<8192x256xf32, #tpu.memory_space<vmem>>, vector<1024x256xf32>
      %dot_general3A_124 = arith.constant dense<0.000000e+00> : vector<512x1024xf32>
      %dot_general3A_125 = tpu.matmul %div3A_24, %get3A_123, %dot_general3A_124 {dimension_numbers = #tpu.dot_dimension_numbers<[1], [1], [0], [0], [0, 0, 1, 0], [], []>, transpose_lhs_hint = false} : vector<512x256xf32>, vector<1024x256xf32>, vector<512x1024xf32> -> vector<512x1024xf32>
      %get3A_126 = arith.constant 0 : index
      %get3A_127 = arith.constant 3072 : index
      %get3A_128 = vector.load %arg5[%get3A_126, %get3A_127] : memref<1x8192xf32, #tpu.memory_space<vmem>>, vector<1x1024xf32>
      %mul3A_129 = arith.constant 5.000000e-01 : f32
      %mul3A_130 = vector.broadcast %mul3A_129 : f32 to vector<1x1024xf32>
      %mul3A_131 = arith.mulf %get3A_128, %mul3A_130 : vector<1x1024xf32>
      %sub3A_132 = vector.broadcast %mul3A_131 : vector<1x1024xf32> to vector<512x1024xf32>
      %sub3A_133 = arith.subf %sub3A_132, %dot_general3A_125 : vector<512x1024xf32>
      %reduce_min3A_134 = arith.constant dense<0x7F800000> : vector<512xf32>
      %reduce_min3A_135 = vector.multi_reduction <minimumf>, %sub3A_133, %reduce_min3A_134 [1] : vector<512x1024xf32> to vector<512xf32>
      %broadcast_in_dim3A_136 = vector.shape_cast %reduce_min3A_135 : vector<512xf32> to vector<512x1xf32>
      %eq3A_137 = vector.broadcast %broadcast_in_dim3A_136 : vector<512x1xf32> to vector<512x1024xf32>
      %eq3A_138 = arith.cmpf oeq, %sub3A_133, %eq3A_137 : vector<512x1024xf32>
      %jit3A_139 = arith.constant 1.638400e+04 : f32
      %broadcast_in_dim3A_140 = vector.broadcast %jit3A_139 : f32 to vector<512x1024xf32>
      %select_n3A_141 = arith.select %eq3A_138, %convert_element_type3A, %broadcast_in_dim3A_140 : vector<512x1024xi1>, vector<512x1024xf32>
      %reduce_min3A_142 = arith.constant dense<0x7F800000> : vector<512xf32>
      %reduce_min3A_143 = vector.multi_reduction <minimumf>, %select_n3A_141, %reduce_min3A_142 [1] : vector<512x1024xf32> to vector<512xf32>
      %broadcast_in_dim3A_144 = vector.shape_cast %reduce_min3A_143 : vector<512xf32> to vector<512x1xf32>
      %add3A_145 = arith.constant 3.072000e+03 : f32
      %add3A_146 = vector.broadcast %add3A_145 : f32 to vector<512x1xf32>
      %add3A_147 = arith.addf %broadcast_in_dim3A_144, %add3A_146 : vector<512x1xf32>
      %jit3A_148 = arith.constant 0x7F800000 : f32
      %broadcast_in_dim3A_149 = vector.broadcast %jit3A_148 : f32 to vector<512x1024xf32>
      %select_n3A_150 = arith.select %eq3A_138, %broadcast_in_dim3A_149, %sub3A_133 : vector<512x1024xi1>, vector<512x1024xf32>
      %reduce_min3A_151 = arith.constant dense<0x7F800000> : vector<512xf32>
      %reduce_min3A_152 = vector.multi_reduction <minimumf>, %select_n3A_150, %reduce_min3A_151 [1] : vector<512x1024xf32> to vector<512xf32>
      %broadcast_in_dim3A_153 = vector.shape_cast %reduce_min3A_152 : vector<512xf32> to vector<512x1xf32>
      %get3A_154 = arith.constant 4096 : index
      %get3A_155 = arith.constant 0 : index
      %get3A_156 = vector.load %arg4[%get3A_154, %get3A_155] : memref<8192x256xf32, #tpu.memory_space<vmem>>, vector<1024x256xf32>
      %dot_general3A_157 = arith.constant dense<0.000000e+00> : vector<512x1024xf32>
      %dot_general3A_158 = tpu.matmul %div3A_24, %get3A_156, %dot_general3A_157 {dimension_numbers = #tpu.dot_dimension_numbers<[1], [1], [0], [0], [0, 0, 1, 0], [], []>, transpose_lhs_hint = false} : vector<512x256xf32>, vector<1024x256xf32>, vector<512x1024xf32> -> vector<512x1024xf32>
      %get3A_159 = arith.constant 0 : index
      %get3A_160 = arith.constant 4096 : index
      %get3A_161 = vector.load %arg5[%get3A_159, %get3A_160] : memref<1x8192xf32, #tpu.memory_space<vmem>>, vector<1x1024xf32>
      %mul3A_162 = arith.constant 5.000000e-01 : f32
      %mul3A_163 = vector.broadcast %mul3A_162 : f32 to vector<1x1024xf32>
      %mul3A_164 = arith.mulf %get3A_161, %mul3A_163 : vector<1x1024xf32>
      %sub3A_165 = vector.broadcast %mul3A_164 : vector<1x1024xf32> to vector<512x1024xf32>
      %sub3A_166 = arith.subf %sub3A_165, %dot_general3A_158 : vector<512x1024xf32>
      %reduce_min3A_167 = arith.constant dense<0x7F800000> : vector<512xf32>
      %reduce_min3A_168 = vector.multi_reduction <minimumf>, %sub3A_166, %reduce_min3A_167 [1] : vector<512x1024xf32> to vector<512xf32>
      %broadcast_in_dim3A_169 = vector.shape_cast %reduce_min3A_168 : vector<512xf32> to vector<512x1xf32>
      %eq3A_170 = vector.broadcast %broadcast_in_dim3A_169 : vector<512x1xf32> to vector<512x1024xf32>
      %eq3A_171 = arith.cmpf oeq, %sub3A_166, %eq3A_170 : vector<512x1024xf32>
      %jit3A_172 = arith.constant 1.638400e+04 : f32
      %broadcast_in_dim3A_173 = vector.broadcast %jit3A_172 : f32 to vector<512x1024xf32>
      %select_n3A_174 = arith.select %eq3A_171, %convert_element_type3A, %broadcast_in_dim3A_173 : vector<512x1024xi1>, vector<512x1024xf32>
      %reduce_min3A_175 = arith.constant dense<0x7F800000> : vector<512xf32>
      %reduce_min3A_176 = vector.multi_reduction <minimumf>, %select_n3A_174, %reduce_min3A_175 [1] : vector<512x1024xf32> to vector<512xf32>
      %broadcast_in_dim3A_177 = vector.shape_cast %reduce_min3A_176 : vector<512xf32> to vector<512x1xf32>
      %add3A_178 = arith.constant 4.096000e+03 : f32
      %add3A_179 = vector.broadcast %add3A_178 : f32 to vector<512x1xf32>
      %add3A_180 = arith.addf %broadcast_in_dim3A_177, %add3A_179 : vector<512x1xf32>
      %jit3A_181 = arith.constant 0x7F800000 : f32
      %broadcast_in_dim3A_182 = vector.broadcast %jit3A_181 : f32 to vector<512x1024xf32>
      %select_n3A_183 = arith.select %eq3A_171, %broadcast_in_dim3A_182, %sub3A_166 : vector<512x1024xi1>, vector<512x1024xf32>
      %reduce_min3A_184 = arith.constant dense<0x7F800000> : vector<512xf32>
      %reduce_min3A_185 = vector.multi_reduction <minimumf>, %select_n3A_183, %reduce_min3A_184 [1] : vector<512x1024xf32> to vector<512xf32>
      %broadcast_in_dim3A_186 = vector.shape_cast %reduce_min3A_185 : vector<512xf32> to vector<512x1xf32>
      %get3A_187 = arith.constant 5120 : index
      %get3A_188 = arith.constant 0 : index
      %get3A_189 = vector.load %arg4[%get3A_187, %get3A_188] : memref<8192x256xf32, #tpu.memory_space<vmem>>, vector<1024x256xf32>
      %dot_general3A_190 = arith.constant dense<0.000000e+00> : vector<512x1024xf32>
      %dot_general3A_191 = tpu.matmul %div3A_24, %get3A_189, %dot_general3A_190 {dimension_numbers = #tpu.dot_dimension_numbers<[1], [1], [0], [0], [0, 0, 1, 0], [], []>, transpose_lhs_hint = false} : vector<512x256xf32>, vector<1024x256xf32>, vector<512x1024xf32> -> vector<512x1024xf32>
      %get3A_192 = arith.constant 0 : index
      %get3A_193 = arith.constant 5120 : index
      %get3A_194 = vector.load %arg5[%get3A_192, %get3A_193] : memref<1x8192xf32, #tpu.memory_space<vmem>>, vector<1x1024xf32>
      %mul3A_195 = arith.constant 5.000000e-01 : f32
      %mul3A_196 = vector.broadcast %mul3A_195 : f32 to vector<1x1024xf32>
      %mul3A_197 = arith.mulf %get3A_194, %mul3A_196 : vector<1x1024xf32>
      %sub3A_198 = vector.broadcast %mul3A_197 : vector<1x1024xf32> to vector<512x1024xf32>
      %sub3A_199 = arith.subf %sub3A_198, %dot_general3A_191 : vector<512x1024xf32>
      %reduce_min3A_200 = arith.constant dense<0x7F800000> : vector<512xf32>
      %reduce_min3A_201 = vector.multi_reduction <minimumf>, %sub3A_199, %reduce_min3A_200 [1] : vector<512x1024xf32> to vector<512xf32>
      %broadcast_in_dim3A_202 = vector.shape_cast %reduce_min3A_201 : vector<512xf32> to vector<512x1xf32>
      %eq3A_203 = vector.broadcast %broadcast_in_dim3A_202 : vector<512x1xf32> to vector<512x1024xf32>
      %eq3A_204 = arith.cmpf oeq, %sub3A_199, %eq3A_203 : vector<512x1024xf32>
      %jit3A_205 = arith.constant 1.638400e+04 : f32
      %broadcast_in_dim3A_206 = vector.broadcast %jit3A_205 : f32 to vector<512x1024xf32>
      %select_n3A_207 = arith.select %eq3A_204, %convert_element_type3A, %broadcast_in_dim3A_206 : vector<512x1024xi1>, vector<512x1024xf32>
      %reduce_min3A_208 = arith.constant dense<0x7F800000> : vector<512xf32>
      %reduce_min3A_209 = vector.multi_reduction <minimumf>, %select_n3A_207, %reduce_min3A_208 [1] : vector<512x1024xf32> to vector<512xf32>
      %broadcast_in_dim3A_210 = vector.shape_cast %reduce_min3A_209 : vector<512xf32> to vector<512x1xf32>
      %add3A_211 = arith.constant 5.120000e+03 : f32
      %add3A_212 = vector.broadcast %add3A_211 : f32 to vector<512x1xf32>
      %add3A_213 = arith.addf %broadcast_in_dim3A_210, %add3A_212 : vector<512x1xf32>
      %jit3A_214 = arith.constant 0x7F800000 : f32
      %broadcast_in_dim3A_215 = vector.broadcast %jit3A_214 : f32 to vector<512x1024xf32>
      %select_n3A_216 = arith.select %eq3A_204, %broadcast_in_dim3A_215, %sub3A_199 : vector<512x1024xi1>, vector<512x1024xf32>
      %reduce_min3A_217 = arith.constant dense<0x7F800000> : vector<512xf32>
      %reduce_min3A_218 = vector.multi_reduction <minimumf>, %select_n3A_216, %reduce_min3A_217 [1] : vector<512x1024xf32> to vector<512xf32>
      %broadcast_in_dim3A_219 = vector.shape_cast %reduce_min3A_218 : vector<512xf32> to vector<512x1xf32>
      %get3A_220 = arith.constant 6144 : index
      %get3A_221 = arith.constant 0 : index
      %get3A_222 = vector.load %arg4[%get3A_220, %get3A_221] : memref<8192x256xf32, #tpu.memory_space<vmem>>, vector<1024x256xf32>
      %dot_general3A_223 = arith.constant dense<0.000000e+00> : vector<512x1024xf32>
      %dot_general3A_224 = tpu.matmul %div3A_24, %get3A_222, %dot_general3A_223 {dimension_numbers = #tpu.dot_dimension_numbers<[1], [1], [0], [0], [0, 0, 1, 0], [], []>, transpose_lhs_hint = false} : vector<512x256xf32>, vector<1024x256xf32>, vector<512x1024xf32> -> vector<512x1024xf32>
      %get3A_225 = arith.constant 0 : index
      %get3A_226 = arith.constant 6144 : index
      %get3A_227 = vector.load %arg5[%get3A_225, %get3A_226] : memref<1x8192xf32, #tpu.memory_space<vmem>>, vector<1x1024xf32>
      %mul3A_228 = arith.constant 5.000000e-01 : f32
      %mul3A_229 = vector.broadcast %mul3A_228 : f32 to vector<1x1024xf32>
      %mul3A_230 = arith.mulf %get3A_227, %mul3A_229 : vector<1x1024xf32>
      %sub3A_231 = vector.broadcast %mul3A_230 : vector<1x1024xf32> to vector<512x1024xf32>
      %sub3A_232 = arith.subf %sub3A_231, %dot_general3A_224 : vector<512x1024xf32>
      %reduce_min3A_233 = arith.constant dense<0x7F800000> : vector<512xf32>
      %reduce_min3A_234 = vector.multi_reduction <minimumf>, %sub3A_232, %reduce_min3A_233 [1] : vector<512x1024xf32> to vector<512xf32>
      %broadcast_in_dim3A_235 = vector.shape_cast %reduce_min3A_234 : vector<512xf32> to vector<512x1xf32>
      %eq3A_236 = vector.broadcast %broadcast_in_dim3A_235 : vector<512x1xf32> to vector<512x1024xf32>
      %eq3A_237 = arith.cmpf oeq, %sub3A_232, %eq3A_236 : vector<512x1024xf32>
      %jit3A_238 = arith.constant 1.638400e+04 : f32
      %broadcast_in_dim3A_239 = vector.broadcast %jit3A_238 : f32 to vector<512x1024xf32>
      %select_n3A_240 = arith.select %eq3A_237, %convert_element_type3A, %broadcast_in_dim3A_239 : vector<512x1024xi1>, vector<512x1024xf32>
      %reduce_min3A_241 = arith.constant dense<0x7F800000> : vector<512xf32>
      %reduce_min3A_242 = vector.multi_reduction <minimumf>, %select_n3A_240, %reduce_min3A_241 [1] : vector<512x1024xf32> to vector<512xf32>
      %broadcast_in_dim3A_243 = vector.shape_cast %reduce_min3A_242 : vector<512xf32> to vector<512x1xf32>
      %add3A_244 = arith.constant 6.144000e+03 : f32
      %add3A_245 = vector.broadcast %add3A_244 : f32 to vector<512x1xf32>
      %add3A_246 = arith.addf %broadcast_in_dim3A_243, %add3A_245 : vector<512x1xf32>
      %jit3A_247 = arith.constant 0x7F800000 : f32
      %broadcast_in_dim3A_248 = vector.broadcast %jit3A_247 : f32 to vector<512x1024xf32>
      %select_n3A_249 = arith.select %eq3A_237, %broadcast_in_dim3A_248, %sub3A_232 : vector<512x1024xi1>, vector<512x1024xf32>
      %reduce_min3A_250 = arith.constant dense<0x7F800000> : vector<512xf32>
      %reduce_min3A_251 = vector.multi_reduction <minimumf>, %select_n3A_249, %reduce_min3A_250 [1] : vector<512x1024xf32> to vector<512xf32>
      %broadcast_in_dim3A_252 = vector.shape_cast %reduce_min3A_251 : vector<512xf32> to vector<512x1xf32>
      %get3A_253 = arith.constant 7168 : index
      %get3A_254 = arith.constant 0 : index
      %get3A_255 = vector.load %arg4[%get3A_253, %get3A_254] : memref<8192x256xf32, #tpu.memory_space<vmem>>, vector<1024x256xf32>
      %dot_general3A_256 = arith.constant dense<0.000000e+00> : vector<512x1024xf32>
      %dot_general3A_257 = tpu.matmul %div3A_24, %get3A_255, %dot_general3A_256 {dimension_numbers = #tpu.dot_dimension_numbers<[1], [1], [0], [0], [0, 0, 1, 0], [], []>, transpose_lhs_hint = false} : vector<512x256xf32>, vector<1024x256xf32>, vector<512x1024xf32> -> vector<512x1024xf32>
      %get3A_258 = arith.constant 0 : index
      %get3A_259 = arith.constant 7168 : index
      %get3A_260 = vector.load %arg5[%get3A_258, %get3A_259] : memref<1x8192xf32, #tpu.memory_space<vmem>>, vector<1x1024xf32>
      %mul3A_261 = arith.constant 5.000000e-01 : f32
      %mul3A_262 = vector.broadcast %mul3A_261 : f32 to vector<1x1024xf32>
      %mul3A_263 = arith.mulf %get3A_260, %mul3A_262 : vector<1x1024xf32>
      %sub3A_264 = vector.broadcast %mul3A_263 : vector<1x1024xf32> to vector<512x1024xf32>
      %sub3A_265 = arith.subf %sub3A_264, %dot_general3A_257 : vector<512x1024xf32>
      %reduce_min3A_266 = arith.constant dense<0x7F800000> : vector<512xf32>
      %reduce_min3A_267 = vector.multi_reduction <minimumf>, %sub3A_265, %reduce_min3A_266 [1] : vector<512x1024xf32> to vector<512xf32>
      %broadcast_in_dim3A_268 = vector.shape_cast %reduce_min3A_267 : vector<512xf32> to vector<512x1xf32>
      %eq3A_269 = vector.broadcast %broadcast_in_dim3A_268 : vector<512x1xf32> to vector<512x1024xf32>
      %eq3A_270 = arith.cmpf oeq, %sub3A_265, %eq3A_269 : vector<512x1024xf32>
      %jit3A_271 = arith.constant 1.638400e+04 : f32
      %broadcast_in_dim3A_272 = vector.broadcast %jit3A_271 : f32 to vector<512x1024xf32>
      %select_n3A_273 = arith.select %eq3A_270, %convert_element_type3A, %broadcast_in_dim3A_272 : vector<512x1024xi1>, vector<512x1024xf32>
      %reduce_min3A_274 = arith.constant dense<0x7F800000> : vector<512xf32>
      %reduce_min3A_275 = vector.multi_reduction <minimumf>, %select_n3A_273, %reduce_min3A_274 [1] : vector<512x1024xf32> to vector<512xf32>
      %broadcast_in_dim3A_276 = vector.shape_cast %reduce_min3A_275 : vector<512xf32> to vector<512x1xf32>
      %add3A_277 = arith.constant 7.168000e+03 : f32
      %add3A_278 = vector.broadcast %add3A_277 : f32 to vector<512x1xf32>
      %add3A_279 = arith.addf %broadcast_in_dim3A_276, %add3A_278 : vector<512x1xf32>
      %jit3A_280 = arith.constant 0x7F800000 : f32
      %broadcast_in_dim3A_281 = vector.broadcast %jit3A_280 : f32 to vector<512x1024xf32>
      %select_n3A_282 = arith.select %eq3A_270, %broadcast_in_dim3A_281, %sub3A_265 : vector<512x1024xi1>, vector<512x1024xf32>
      %reduce_min3A_283 = arith.constant dense<0x7F800000> : vector<512xf32>
      %reduce_min3A_284 = vector.multi_reduction <minimumf>, %select_n3A_282, %reduce_min3A_283 [1] : vector<512x1024xf32> to vector<512xf32>
      %broadcast_in_dim3A_285 = vector.shape_cast %reduce_min3A_284 : vector<512xf32> to vector<512x1xf32>
      %min3A = arith.minimumf %broadcast_in_dim3A_41, %broadcast_in_dim3A_70 : vector<512x1xf32>
      %min3A_286 = arith.minimumf %broadcast_in_dim3A_54, %broadcast_in_dim3A_87 : vector<512x1xf32>
      %max3A_287 = arith.maximumf %broadcast_in_dim3A_41, %broadcast_in_dim3A_70 : vector<512x1xf32>
      %min3A_288 = arith.minimumf %min3A_286, %max3A_287 : vector<512x1xf32>
      %lt3A = arith.cmpf olt, %broadcast_in_dim3A_70, %broadcast_in_dim3A_41 : vector<512x1xf32>
      %select_n3A_289 = arith.select %lt3A, %add3A_81, %add3A_48 : vector<512x1xi1>, vector<512x1xf32>
      %min3A_290 = arith.minimumf %broadcast_in_dim3A_103, %broadcast_in_dim3A_136 : vector<512x1xf32>
      %min3A_291 = arith.minimumf %broadcast_in_dim3A_120, %broadcast_in_dim3A_153 : vector<512x1xf32>
      %max3A_292 = arith.maximumf %broadcast_in_dim3A_103, %broadcast_in_dim3A_136 : vector<512x1xf32>
      %min3A_293 = arith.minimumf %min3A_291, %max3A_292 : vector<512x1xf32>
      %lt3A_294 = arith.cmpf olt, %broadcast_in_dim3A_136, %broadcast_in_dim3A_103 : vector<512x1xf32>
      %select_n3A_295 = arith.select %lt3A_294, %add3A_147, %add3A_114 : vector<512x1xi1>, vector<512x1xf32>
      %min3A_296 = arith.minimumf %broadcast_in_dim3A_169, %broadcast_in_dim3A_202 : vector<512x1xf32>
      %min3A_297 = arith.minimumf %broadcast_in_dim3A_186, %broadcast_in_dim3A_219 : vector<512x1xf32>
      %max3A_298 = arith.maximumf %broadcast_in_dim3A_169, %broadcast_in_dim3A_202 : vector<512x1xf32>
      %min3A_299 = arith.minimumf %min3A_297, %max3A_298 : vector<512x1xf32>
      %lt3A_300 = arith.cmpf olt, %broadcast_in_dim3A_202, %broadcast_in_dim3A_169 : vector<512x1xf32>
      %select_n3A_301 = arith.select %lt3A_300, %add3A_213, %add3A_180 : vector<512x1xi1>, vector<512x1xf32>
      %min3A_302 = arith.minimumf %broadcast_in_dim3A_235, %broadcast_in_dim3A_268 : vector<512x1xf32>
      %min3A_303 = arith.minimumf %broadcast_in_dim3A_252, %broadcast_in_dim3A_285 : vector<512x1xf32>
      %max3A_304 = arith.maximumf %broadcast_in_dim3A_235, %broadcast_in_dim3A_268 : vector<512x1xf32>
      %min3A_305 = arith.minimumf %min3A_303, %max3A_304 : vector<512x1xf32>
      %lt3A_306 = arith.cmpf olt, %broadcast_in_dim3A_268, %broadcast_in_dim3A_235 : vector<512x1xf32>
      %select_n3A_307 = arith.select %lt3A_306, %add3A_279, %add3A_246 : vector<512x1xi1>, vector<512x1xf32>
      %min3A_308 = arith.minimumf %min3A, %min3A_290 : vector<512x1xf32>
      %min3A_309 = arith.minimumf %min3A_288, %min3A_293 : vector<512x1xf32>
      %max3A_310 = arith.maximumf %min3A, %min3A_290 : vector<512x1xf32>
      %min3A_311 = arith.minimumf %min3A_309, %max3A_310 : vector<512x1xf32>
      %lt3A_312 = arith.cmpf olt, %min3A_290, %min3A : vector<512x1xf32>
      %select_n3A_313 = arith.select %lt3A_312, %select_n3A_295, %select_n3A_289 : vector<512x1xi1>, vector<512x1xf32>
      %min3A_314 = arith.minimumf %min3A_296, %min3A_302 : vector<512x1xf32>
      %min3A_315 = arith.minimumf %min3A_299, %min3A_305 : vector<512x1xf32>
      %max3A_316 = arith.maximumf %min3A_296, %min3A_302 : vector<512x1xf32>
      %min3A_317 = arith.minimumf %min3A_315, %max3A_316 : vector<512x1xf32>
      %lt3A_318 = arith.cmpf olt, %min3A_302, %min3A_296 : vector<512x1xf32>
      %select_n3A_319 = arith.select %lt3A_318, %select_n3A_307, %select_n3A_301 : vector<512x1xi1>, vector<512x1xf32>
      %min3A_320 = arith.minimumf %min3A_308, %min3A_314 : vector<512x1xf32>
      %min3A_321 = arith.minimumf %min3A_311, %min3A_317 : vector<512x1xf32>
      %max3A_322 = arith.maximumf %min3A_308, %min3A_314 : vector<512x1xf32>
      %min3A_323 = arith.minimumf %min3A_321, %max3A_322 : vector<512x1xf32>
      %lt3A_324 = arith.cmpf olt, %min3A_314, %min3A_308 : vector<512x1xf32>
      %select_n3A_325 = arith.select %lt3A_324, %select_n3A_319, %select_n3A_313 : vector<512x1xi1>, vector<512x1xf32>
      %mul3A_326 = arith.constant 2.000000e+00 : f32
      %mul3A_327 = vector.broadcast %mul3A_326 : f32 to vector<512x1xf32>
      %mul3A_328 = arith.mulf %mul3A_327, %min3A_320 : vector<512x1xf32>
      %add3A_329 = arith.addf %broadcast_in_dim3A_28, %mul3A_328 : vector<512x1xf32>
      %add3A_330 = arith.constant 5.000000e-07 : f32
      %add3A_331 = vector.broadcast %add3A_330 : f32 to vector<512x1xf32>
      %add3A_332 = arith.addf %min3A_320, %add3A_331 : vector<512x1xf32>
      %lt3A_333 = arith.cmpf olt, %min3A_323, %add3A_332 : vector<512x1xf32>
      %reduce_or3A = arith.constant 1.000000e+00 : f32
      %reduce_or3A_334 = arith.constant 0.000000e+00 : f32
      %reduce_or3A_335 = vector.broadcast %reduce_or3A : f32 to vector<512x1xf32>
      %reduce_or3A_336 = vector.broadcast %reduce_or3A_334 : f32 to vector<512x1xf32>
      %reduce_or3A_337 = arith.select %lt3A_333, %reduce_or3A_335, %reduce_or3A_336 : vector<512x1xi1>, vector<512x1xf32>
      %reduce_or3A_338 = vector.shape_cast %reduce_or3A_337 : vector<512x1xf32> to vector<1x512x1xf32>
      %reduce_or3A_339 = arith.constant dense<0xFF800000> : vector<1xf32>
      %reduce_or3A_340 = vector.multi_reduction <maximumf>, %reduce_or3A_338, %reduce_or3A_339 [1, 2] : vector<1x512x1xf32> to vector<1xf32>
      %reduce_or3A_341 = vector.shape_cast %reduce_or3A_340 : vector<1xf32> to vector<1x1x1xf32>
      %reduce_or3A_342 = vector.extract %reduce_or3A_341[0, 0, 0] : f32 from vector<1x1x1xf32>
      %reduce_or3A_343 = arith.constant 0.000000e+00 : f32
      %reduce_or3A_344 = arith.cmpf ogt, %reduce_or3A_342, %reduce_or3A_343 : f32
      %convert_element_type3A_345 = arith.extui %reduce_or3A_344 : i1 to i32
      %cond3A = arith.constant 0 : i32
      %cond3A_346 = arith.cmpi ne, %convert_element_type3A_345, %cond3A : i32
      %cond3A_347 = scf.if %cond3A_346 -> (vector<512xi32>) {
        %broadcast_in_dim3A_361 = arith.constant 0x7F800000 : f32
        %broadcast_in_dim3A_362 = vector.broadcast %broadcast_in_dim3A_361 : f32 to vector<512xf32>
        %scan3A_363 = arith.constant 0 : i32
        %scan3A_364 = arith.constant 8 : i32
        %scan3A_365 = arith.addi %scan3A_363, %scan3A_364 : i32
        %scan3A_366 = arith.constant 1 : i32
        %scan3A_367 = scf.for %scan3A_388 = %scan3A_363 to %scan3A_365 step %scan3A_366 iter_args(%scan3A_389 = %broadcast_in_dim3A_362) -> (vector<512xf32>)  : i32 {
          %mul3A_390 = arith.constant 1024 : i32
          %mul3A_391 = arith.muli %scan3A_388, %mul3A_390 : i32
          %get3A_392 = arith.index_cast %mul3A_391 : i32 to index
          %get3A_393 = arith.constant 0 : index
          %get3A_394 = vector.load %arg4[%get3A_392, %get3A_393] : memref<8192x256xf32, #tpu.memory_space<vmem>>, vector<1024x256xf32>
          %dot_general3A_395 = arith.constant dense<0.000000e+00> : vector<512x1024xf32>
          %dot_general3A_396 = tpu.matmul %div3A_24, %get3A_394, %dot_general3A_395 {dimension_numbers = #tpu.dot_dimension_numbers<[1], [1], [0], [0], [0, 0, 1, 0], [], []>, transpose_lhs_hint = false} : vector<512x256xf32>, vector<1024x256xf32>, vector<512x1024xf32> -> vector<512x1024xf32>
          %mul3A_397 = arith.constant 1024 : i32
          %mul3A_398 = arith.muli %scan3A_388, %mul3A_397 : i32
          %get3A_399 = arith.constant 0 : index
          %get3A_400 = arith.index_cast %mul3A_398 : i32 to index
          %get3A_401 = vector.load %arg5[%get3A_399, %get3A_400] : memref<1x8192xf32, #tpu.memory_space<vmem>>, vector<1x1024xf32>
          %get3A_402 = vector.shape_cast %get3A_401 : vector<1x1024xf32> to vector<1024xf32>
          %broadcast_in_dim3A_403 = vector.shape_cast %get3A_402 : vector<1024xf32> to vector<1x1024xf32>
          %add3A_404 = vector.broadcast %broadcast_in_dim3A_28 : vector<512x1xf32> to vector<512x1024xf32>
          %add3A_405 = vector.broadcast %broadcast_in_dim3A_403 : vector<1x1024xf32> to vector<512x1024xf32>
          %add3A_406 = arith.addf %add3A_404, %add3A_405 : vector<512x1024xf32>
          %mul3A_407 = arith.constant 2.000000e+00 : f32
          %mul3A_408 = vector.broadcast %mul3A_407 : f32 to vector<512x1024xf32>
          %mul3A_409 = arith.mulf %mul3A_408, %dot_general3A_396 : vector<512x1024xf32>
          %sub3A_410 = arith.subf %add3A_406, %mul3A_409 : vector<512x1024xf32>
          %mul3A_411 = arith.constant 1024 : i32
          %mul3A_412 = arith.muli %scan3A_388, %mul3A_411 : i32
          %swap3A_413 = arith.constant 0 : index
          %swap3A_414 = arith.index_cast %mul3A_412 : i32 to index
          %swap3A_415 = vector.load %arg6[%swap3A_413, %swap3A_414] : memref<512x8192xf32, #tpu.memory_space<vmem>>, vector<512x1024xf32>
          tpu.vector_store %arg6[%swap3A_413, %swap3A_414], %sub3A_410 {strides = array<i32>} : memref<512x8192xf32, #tpu.memory_space<vmem>>, vector<512x1024xf32>,
          %reduce_min3A_416 = arith.constant dense<0x7F800000> : vector<512xf32>
          %reduce_min3A_417 = vector.multi_reduction <minimumf>, %sub3A_410, %reduce_min3A_416 [1] : vector<512x1024xf32> to vector<512xf32>
          %min3A_418 = arith.minimumf %scan3A_389, %reduce_min3A_417 : vector<512xf32>
          scf.yield %min3A_418 : vector<512xf32>
        }
        %scan3A_368 = arith.constant 8 : i32
        %broadcast_in_dim3A_369 = arith.constant 0.000000e+00 : f32
        %broadcast_in_dim3A_370 = vector.broadcast %broadcast_in_dim3A_369 : f32 to vector<512xf32>
        %scan3A_371 = arith.constant 0 : i32
        %scan3A_372 = arith.constant 8 : i32
        %scan3A_373 = arith.addi %scan3A_371, %scan3A_372 : i32
        %scan3A_374 = arith.constant 1 : i32
        %scan3A_375 = scf.for %scan3A_388 = %scan3A_371 to %scan3A_373 step %scan3A_374 iter_args(%scan3A_389 = %broadcast_in_dim3A_370) -> (vector<512xf32>)  : i32 {
          %mul3A_390 = arith.constant 1024 : i32
          %mul3A_391 = arith.muli %scan3A_388, %mul3A_390 : i32
          %get3A_392 = arith.constant 0 : index
          %get3A_393 = arith.index_cast %mul3A_391 : i32 to index
          %get3A_394 = vector.load %arg6[%get3A_392, %get3A_393] : memref<512x8192xf32, #tpu.memory_space<vmem>>, vector<512x1024xf32>
          %broadcast_in_dim3A_395 = vector.shape_cast %scan3A_367 : vector<512xf32> to vector<512x1xf32>
          %sub3A_396 = vector.broadcast %broadcast_in_dim3A_395 : vector<512x1xf32> to vector<512x1024xf32>
          %sub3A_397 = arith.subf %sub3A_396, %get3A_394 : vector<512x1024xf32>
          %mul3A_398 = arith.constant 5.000000e-01 : f32
          %mul3A_399 = vector.broadcast %mul3A_398 : f32 to vector<512x1024xf32>
          %mul3A_400 = arith.mulf %sub3A_397, %mul3A_399 : vector<512x1024xf32>
          %exp3A = math.exp %mul3A_400 : vector<512x1024xf32>
          %mul3A_401 = arith.constant 1024 : i32
          %mul3A_402 = arith.muli %scan3A_388, %mul3A_401 : i32
          %swap3A_403 = arith.constant 0 : index
          %swap3A_404 = arith.index_cast %mul3A_402 : i32 to index
          %swap3A_405 = vector.load %arg6[%swap3A_403, %swap3A_404] : memref<512x8192xf32, #tpu.memory_space<vmem>>, vector<512x1024xf32>
          tpu.vector_store %arg6[%swap3A_403, %swap3A_404], %exp3A {strides = array<i32>} : memref<512x8192xf32, #tpu.memory_space<vmem>>, vector<512x1024xf32>,
          %reduce_sum3A_406 = arith.constant dense<0.000000e+00> : vector<512xf32>
          %reduce_sum3A_407 = vector.multi_reduction <add>, %exp3A, %reduce_sum3A_406 [1] : vector<512x1024xf32> to vector<512xf32>
          %add3A_408 = arith.addf %scan3A_389, %reduce_sum3A_407 : vector<512xf32>
          scf.yield %add3A_408 : vector<512xf32>
        }
        %scan3A_376 = arith.constant 8 : i32
        %div3A_377 = arith.constant 1.000000e+00 : f32
        %div3A_378 = vector.broadcast %div3A_377 : f32 to vector<512xf32>
        %div3A_379 = arith.divf %div3A_378, %scan3A_375 : vector<512xf32>
        %broadcast_in_dim3A_380 = arith.constant 8192 : i32
        %broadcast_in_dim3A_381 = vector.broadcast %broadcast_in_dim3A_380 : i32 to vector<512xi32>
        %scan3A_382 = arith.constant 0 : i32
        %scan3A_383 = arith.constant 8 : i32
        %scan3A_384 = arith.addi %scan3A_382, %scan3A_383 : i32
        %scan3A_385 = arith.constant 1 : i32
        %scan3A_386 = scf.for %scan3A_388 = %scan3A_382 to %scan3A_384 step %scan3A_385 iter_args(%scan3A_389 = %broadcast_in_dim3A_381) -> (vector<512xi32>)  : i32 {
          %mul3A_390 = arith.constant 1024 : i32
          %mul3A_391 = arith.muli %scan3A_388, %mul3A_390 : i32
          %get3A_392 = arith.constant 0 : index
          %get3A_393 = arith.index_cast %mul3A_391 : i32 to index
          %get3A_394 = vector.load %arg6[%get3A_392, %get3A_393] : memref<512x8192xf32, #tpu.memory_space<vmem>>, vector<512x1024xf32>
          %broadcast_in_dim3A_395 = vector.shape_cast %scan3A_375 : vector<512xf32> to vector<512x1xf32>
          %div3A_396 = vector.broadcast %broadcast_in_dim3A_395 : vector<512x1xf32> to vector<512x1024xf32>
          %div3A_397 = arith.divf %get3A_394, %div3A_396 : vector<512x1024xf32>
          %broadcast_in_dim3A_398 = vector.shape_cast %div3A_379 : vector<512xf32> to vector<512x1xf32>
          %eq3A_399 = vector.broadcast %broadcast_in_dim3A_398 : vector<512x1xf32> to vector<512x1024xf32>
          %eq3A_400 = arith.cmpf oeq, %div3A_397, %eq3A_399 : vector<512x1024xf32>
          %mul3A_401 = arith.constant 1024 : i32
          %mul3A_402 = arith.muli %scan3A_388, %mul3A_401 : i32
          %add3A_403 = vector.broadcast %mul3A_402 : i32 to vector<512x1024xi32>
          %add3A_404 = arith.addi %iota3A, %add3A_403 : vector<512x1024xi32>
          %jit3A_405 = arith.constant 8192 : i32
          %broadcast_in_dim3A_406 = vector.broadcast %jit3A_405 : i32 to vector<512x1024xi32>
          %select_n3A_407 = arith.select %eq3A_400, %add3A_404, %broadcast_in_dim3A_406 : vector<512x1024xi1>, vector<512x1024xi32>
          %reduce_min3A_408 = arith.constant dense<2147483647> : vector<512xi32>
          %reduce_min3A_409 = vector.multi_reduction <minsi>, %select_n3A_407, %reduce_min3A_408 [1] : vector<512x1024xi32> to vector<512xi32>
          %min3A_410 = arith.minsi %scan3A_389, %reduce_min3A_409 : vector<512xi32>
          scf.yield %min3A_410 : vector<512xi32>
        }
        %scan3A_387 = arith.constant 8 : i32
        scf.yield %scan3A_386 : vector<512xi32>
      } else {
        %squeeze3A = vector.shape_cast %select_n3A_325 : vector<512x1xf32> to vector<512xf32>
        %convert_element_type3A_361 = arith.fptosi %squeeze3A : vector<512xf32> to vector<512xi32>
        scf.yield %convert_element_type3A_361 : vector<512xi32>
      }
      %mul3A_348 = arith.constant 512 : i32
      %mul3A_349 = arith.muli %scan3A_14, %mul3A_348 : i32
      %swap3A_350 = arith.constant 0 : index
      %swap3A_351 = arith.index_cast %mul3A_349 : i32 to index
      %swap3A_352 = vector.load %arg2[%swap3A_350, %swap3A_351] : memref<1x8192xi32, #tpu.memory_space<vmem>>, vector<1x512xi32>
      %swap3A_353 = vector.shape_cast %swap3A_352 : vector<1x512xi32> to vector<512xi32>
      %swap3A_354 = vector.shape_cast %cond3A_347 : vector<512xi32> to vector<1x512xi32>
      tpu.vector_store %arg2[%swap3A_350, %swap3A_351], %swap3A_354 {strides = array<i32>} : memref<1x8192xi32, #tpu.memory_space<vmem>>, vector<1x512xi32>,
      %reduce_sum3A_355 = vector.shape_cast %add3A_329 : vector<512x1xf32> to vector<1x512x1xf32>
      %reduce_sum3A_356 = arith.constant dense<0.000000e+00> : vector<1xf32>
      %reduce_sum3A_357 = vector.multi_reduction <add>, %reduce_sum3A_355, %reduce_sum3A_356 [1, 2] : vector<1x512x1xf32> to vector<1xf32>
      %reduce_sum3A_358 = vector.shape_cast %reduce_sum3A_357 : vector<1xf32> to vector<1x1x1xf32>
      %reduce_sum3A_359 = vector.extract %reduce_sum3A_358[0, 0, 0] : f32 from vector<1x1x1xf32>
      %add3A_360 = arith.addf %scan3A_15, %reduce_sum3A_359 : f32
      scf.yield %add3A_360 : f32
    }
    %scan3A_10 = arith.constant 16 : i32
    %mul3A = arith.constant 1.07288361E-6 : f32
    %mul3A_11 = arith.mulf %scan3A_9, %mul3A : f32
    %swap3A = arith.constant 0 : index
    %swap3A_12 = arith.constant 0 : index
    %swap3A_13 = memref.load %arg3[%swap3A, %swap3A_12] : memref<1x1xf32, #tpu.memory_space<smem>>
    memref.store %mul3A_11, %arg3[%swap3A, %swap3A_12] : memref<1x1xf32, #tpu.memory_space<smem>>
    return
  }
}

</mosaic_0001>

<sc_bundles>
// kernel: kernel.4.cloned.1.call-start
scs
__scs_entry_jumppad:
0x0: {  	(pc) =	sbr.rel $0x88, $3  }
0x1: {  	(tag) =	ssettag $0x0;
	lr =	simm.s32 $0x1  }
0x2: {  	[smem:$0x3F9F] =	sst lr;
	_ =	strace $0xD0000000  }
0x3: {  	_ = 	snop  }
0x4: {  	_ = 	snop  }
0x5: {  	_ = 	snop  }
0x6: {  	_ = 	snop  }
0x7: {  	_ = 	snop  }
__scs_overlays_trampoline_lowered:
0x8: {  	[smem:$0x3FAE] =	sst s0  }
0x9: {  	[smem:$0x3FAF] =	sst s1  }
0xa: {  	[smem:$0x3FB0] =	sst s2  }
0xb: {  	[smem:$0x3FB1] =	sst s3  }
0xc: {  	[smem:$0x3FB2] =	sst s4  }
0xd: {  	[smem:$0x3FB3] =	sst s5  }
0xe: {  	[smem:$0x3FB4] =	sst s6  }
0xf: {  	[smem:$0x3FB5] =	sst s7  }
0x10: {  	[smem:$0x3FB6] =	sst s8  }
0x11: {  	[smem:$0x3FB7] =	sst s9;
	s0 =	simm.s32 @!p0 $0x0  }
0x12: {  	s1 =	sld [smem:$0x3F9D];
	s0 =	simm.s32 @p0 $0x1  }
0x13: {  	[smem:$0x3FB8] =	sst s0;
	s0 =	simm.s32 @!p1 $0x0  }
0x14: {  	s2 =	sld [smem:$0x3F9C];
	s0 =	simm.s32 @p1 $0x1  }
0x15: {  	[smem:$0x3FB9] =	sst s0;
	s0 =	simm.s32 @!p2 $0x0  }
0x16: {  	s3 =	sld [smem:$0x3FDB];
	s0 =	simm.s32 @p2 $0x1  }
0x17: {  	s4 =	simm.s32 $0x1BF5;
	[smem:$0x3FBB] =	sst s0  }
0x18: {  	s0 =	sld [smem:$0x3F9E];
	_ =	swait.ge [sflag:s4], $0x0  }
0x19: {  	s7 =	sld [smem:$0x3F9F]  }
0x1a: {  	s8 =	sadd.s32 $0xFFFFE003, lr  }
0x1b: {  	s9 =	sadd.s32 $0xFFFFFEF7, lr;
	s5 =	simm.s32 $0xFFFFFFFF;
	p2 =	slt.u32 s8, $0xFFFFF086  }
0x1c: {  	p1 =	slt.u32 s9, $0xF7A;
	s5 =	simm.s32 @!p2 $0x0  }
0x1d: {  	s5 =	simm.s32 @p1 $0x1;
	p0 =	seq.s32 s7, s2  }
0x1e: {  	s7 =	smul.u32 @!p0 $0xF7A, s2;
	p2 =	seq.s32 @!p0 s5, $0x0  }
0x1f: {  	s9 =	smul.u32 $0xF7A, s1;
	s8 =	simm.s32 @!p0 $0x1BF5;
	p2 =	por !p2, p0  }
0x20: {  	[sflag:s8] =	ssyncset.s32 @!p0 $0xFFFFF086;
	s6 =	sadd.s32 @!p0 s3, s7;
	s7 =	simm.s32 @!p0 $0x108  }
0x21: {  	s3 =	sadd.s32 s3, s9;
	s6 =	sadd.s32 @!p0 $0x88, s6;
	s7 =	simm.s32 @p2 $0x1082  }
0x22: {  	[simem:s7], [sflag:s8] =	dma.local @!p0 [hbm:s6], $0xF7A  }
0x23: {  	s9 =	sor.u32 $0xD0000000, s2;
	s6 =	simm.s32 $0x108;
	_ =	swait.ge @!p0 [sflag:s8], $0x0  }
0x24: {  	s3 =	sadd.s32 $0x88, s3;
	s6 =	simm.s32 @!p1 $0x1082;
	[sflag:s4] =	ssyncset.s32 $0xFFFFF086  }
0x25: {  	[simem:s6], [sflag:s4] =	dma.local [hbm:s3], $0xF7A  }
0x26: {  	[smem:$0x3F9F] =	sst s1;
	(tag) =	ssettag s2;
	_ =	strace s9  }
0x27: {  	s1 =	sld [smem:$0x3FAF]  }
0x28: {  	s2 =	sld [smem:$0x3FB0]  }
0x29: {  	s4 =	sld [smem:$0x3FB2]  }
0x2a: {  	p0 =	seq.s32 s5, $0x0;
	s5 =	sld [smem:$0x3FB3]  }
0x2b: {  	s6 =	sld [smem:$0x3FB4]  }
0x2c: {  	s7 =	sld [smem:$0x3FB5]  }
0x2d: {  	s3 =	simm.s32 $0x108;
	s8 =	sld [smem:$0x3FB6]  }
0x2e: {  	s3 =	simm.s32 @!p0 $0x1082;
	s9 =	sld [smem:$0x3FB7]  }
0x2f: {  	lr =	sadd.s32 s0, s3;
	s0 =	sld [smem:$0x3FAE]  }
0x30: {  	s3 =	sld [smem:$0x3FB1]  }
0x31: {  	[smem:$0x3FBA] =	sst s10  }
0x32: {  	s10 =	sld [smem:$0x3FB8];
	_ =	sdelay $0x3  }
0x33: {  	p0 =	seq.s32 s10, $0x1;
	s10 =	sld [smem:$0x3FBA];
	_ =	sdelay $0x3  }
0x34: {  	[smem:$0x3FBA] =	sst s10  }
0x35: {  	s10 =	sld [smem:$0x3FB9];
	_ =	sdelay $0x3  }
0x36: {  	p1 =	seq.s32 s10, $0x1;
	s10 =	sld [smem:$0x3FBA];
	_ =	sdelay $0x3  }
0x37: {  	[smem:$0x3FBA] =	sst s10  }
0x38: {  	s10 =	sld [smem:$0x3FBB]  }
0x39: {  	_ = 	snop;
	(pc) =	sbr.ind lr, $3  }
0x3a: {  	_ = 	snop  }
0x3b: {  	_ = 	snop  }
0x3c: {  	p2 =	seq.s32 s10, $0x1;
	s10 =	sld [smem:$0x3FBA]  }
0x3d: {  	_ =	shalt  }
0x3e: {  	_ =	shalt  }
0x3f: {  	_ =	shalt  }
0x40: {  	_ =	shalt  }
0x41: {  	_ =	shalt  }
0x42: {  	_ =	shalt  }
0x43: {  	_ =	shalt  }
0x44: {  	_ =	shalt  }
0x45: {  	_ =	shalt  }
0x46: {  	_ =	shalt  }
0x47: {  	_ =	shalt  }
0x48: {  	_ =	shalt  }
0x49: {  	_ =	shalt  }
0x4a: {  	_ =	shalt  }
0x4b: {  	_ =	shalt  }
0x4c: {  	_ =	shalt  }
0x4d: {  	_ =	shalt  }
0x4e: {  	_ =	shalt  }
0x4f: {  	_ =	shalt  }
0x50: {  	_ =	shalt  }
0x51: {  	_ =	shalt  }
0x52: {  	_ =	shalt  }
0x53: {  	_ =	shalt  }
0x54: {  	_ =	shalt  }
0x55: {  	_ =	shalt  }
0x56: {  	_ =	shalt  }
0x57: {  	_ =	shalt  }
0x58: {  	_ =	shalt  }
0x59: {  	_ =	shalt  }
0x5a: {  	_ =	shalt  }
0x5b: {  	_ =	shalt  }
0x5c: {  	_ =	shalt  }
0x5d: {  	_ =	shalt  }
0x5e: {  	_ =	shalt  }
0x5f: {  	_ =	shalt  }
0x60: {  	_ =	shalt  }
0x61: {  	_ =	shalt  }
0x62: {  	_ =	shalt  }
0x63: {  	_ =	shalt  }
0x64: {  	_ =	shalt  }
0x65: {  	_ =	shalt  }
0x66: {  	_ =	shalt  }
0x67: {  	_ =	shalt  }
0x68: {  	_ =	shalt  }
0x69: {  	_ =	shalt  }
0x6a: {  	_ =	shalt  }
0x6b: {  	_ =	shalt  }
0x6c: {  	_ =	shalt  }
0x6d: {  	_ =	shalt  }
0x6e: {  	_ =	shalt  }
0x6f: {  	_ =	shalt  }
0x70: {  	_ =	shalt  }
0x71: {  	_ =	shalt  }
0x72: {  	_ =	shalt  }
0x73: {  	_ =	shalt  }
0x74: {  	_ =	shalt  }
0x75: {  	_ =	shalt  }
0x76: {  	_ =	shalt  }
0x77: {  	_ =	shalt  }
0x78: {  	_ =	shalt  }
0x79: {  	_ =	shalt  }
0x7a: {  	_ =	shalt  }
0x7b: {  	_ =	shalt  }
0x7c: {  	_ =	shalt  }
0x7d: {  	_ =	shalt  }
0x7e: {  	_ =	shalt  }
0x7f: {  	_ =	shalt  }
0x80: {  	_ =	shalt  }
0x81: {  	_ =	shalt  }
0x82: {  	_ =	shalt  }
0x83: {  	_ =	shalt  }
0x84: {  	_ =	shalt  }
0x85: {  	_ =	shalt  }
0x86: {  	_ =	shalt  }
0x87: {  	_ =	shalt  }
.Lfunc_end0:
.L_simem_size_0:
called_computation_lowered:
.L_overlay_start_0:
0x88: {  	s2 =	sld [smem:$0x3FD9]  }
0x89: {  	s3 =	sld [smem:$0x3FFE];
	_ =	sdelay $0x1  }
0x8a: {  	s1 =	srdreg.scid  }
0x8b: {  	s0 =	sand.u32 $0x1, s1  }
0x8c: {  	s15 =	sshll.u32 s0, $0xA;
	s2 =	sadd.s32 s3, s2  }
0x8d: {  	s2 =	sadd.s32 s2, s15  }
0x8e: {  	[smem:$0x3FC6] =	sst s2  }
0x8f: {  	_ = 	snop  }
0x90: {  	s2 =	sld [smem:$0x3FD0];
	_ =	sdelay $0x2  }
0x91: {  	s4 =	simm.s32 $0xA;
	s5 =	simm.s32 $0x10;
	s16 =	sld [smem:$0x3FC8]  }
0x92: {  	[smem:s5], [sflag:s4] =	dma.local [hbm:s2], $0x1  }
0x93: {  	_ =	swait.eq [sflag:s4], $0x1  }
0x94: {  	[sflag:s4] =	ssyncset.done $0x0  }
0x95: {  	s17 =	sld [smem:$0x10];
	[sflag:s4] =	ssyncadd.s32 $0xFFFFFFFF  }
0x96: {  	s18 =	sld [smem:$0x11];
	(tm) =	ssettm $0x1  }
0x97: {  	s19 =	sld [smem:$0x3FFB];
	_ =	sdelay $0x3  }
0x98: {  	_ =	strace s19  }
0x99: {  	s5 =	sld [smem:$0x3FFC];
	_ =	sdelay $0x3  }
0x9a: {  	_ =	strace s5  }
0x9b: {  	s5 =	sld [smem:$0x3FFD];
	_ =	sdelay $0x3  }
0x9c: {  	_ =	strace s5  }
0x9d: {  	_ =	strace $0x8FFFFFFF  }
0x9e: {  	s20 =	sld [smem:$0x3FDB];
	_ =	sdelay $0x1  }
0x9f: {  	s6 =	simm.s32 $_scs_section_size  }
0xa0: {  	s7 =	simm.s32 $_size__tile_overlayer_lowered;
	s8 =	simm.s32 $_tile_overlayer_lowered  }
0xa1: {  	s23 =	simm.s32 $0x1BFF;
	s22 =	sshll.u32 s8, $0x1;
	s5 =	sadd.s32 s6, s20  }
0xa2: {  	s9 =	simm.s32 $0x0;
	s21 =	sshll.u32 s7, $0x1;
	s7 =	sadd.s32 s22, s5  }
0xa3: {  	[timem:s9], [sflag:s23] =	dma.local [hbm:s7], s21  }
0xa4: {  	_ =	swait.ge [sflag:s23], s21  }
0xa5: {  	s6 =	ssub.s32 $0x0, s21;
	[sflag:s23] =	ssyncset.done $0x0  }
0xa6: {  	[sflag:s23] =	ssyncadd.s32 s6;
	_ =	sdelay $0x1  }
0xa7: {  	s24 =	simm.s32 $0x1B8B  }
0xa8: {  	_ =	swait.ge [sflag:s24], $0x1  }
0xa9: {  	[sflag:s24] =	ssyncset.done $0x0  }
0xaa: {  	s25 =	simm.s32 $0x1B8E;
	[sflag:s24] =	ssyncadd.s32 $0xFFFFFFFF  }
0xab: {  	s26 =	simm.s32 $execute0_lowered;
	[smem:$0x3FD2] =	sst s25  }
0xac: {  	s6 =	sshll.u32 s26, $0x1;
	_ =	strace $0x80000046;
	[dreg:$0x1] =	wrdreg $0xFFFFFFFF  }
0xad: {  	s28 =	simm.s32 $_size_execute0_lowered;
	s5 =	sadd.s32 s5, s6;
	[dreg:$0x0] =	wrdreg $0x0  }
0xae: {  	s6 =	sshll.u32 s28, $0x1;
	[dreg:$0x2] =	wrdreg s5  }
0xaf: {  	[dreg:$0x3] =	wrdreg s6  }
0xb0: {  	[dreg:$0x4] =	wrdreg $0xC0  }
0xb1: {  	_ =	task [dreg:s9], $0x5FFFF  }
0xb2: {  	[dreg:$0x1] =	wrdreg $0xFFFFFFFF  }
0xb3: {  	[dreg:$0x0] =	wrdreg $0x60  }
0xb4: {  	[dreg:$0x2] =	wrdreg s16  }
0xb5: {  	[dreg:$0x3] =	wrdreg s18  }
0xb6: {  	[dreg:$0x4] =	wrdreg s17  }
0xb7: {  	[dreg:$0x5] =	wrdreg $0x9  }
0xb8: {  	_ =	task.clear_ibuf [dreg:s9], $0x6FFFF;
	_ =	strace $0x90000046  }
0xb9: {  	s29 =	simm.s32 $0x9;
	_ =	strace $0x80000048  }
0xba: {  	_ =	swait.ge [sflag:s29], $0x1  }
0xbb: {  	[sflag:s29] =	ssyncadd.s32 $0xFFFFFFFF  }
0xbc: {  	_ =	strace $0x90000048  }
0xbd: {  	_ =	sfence  }
0xbe: {  	s30 =	sld [smem:$0x0];
	_ =	sdelay $0x2  }
0xbf: {  	s31 =	sshll.u32 s1, $0xD;
	s1 =	sshrl.u32 s1, $0x2  }
0xc0: {  	s3 =	sand.u32 $0x4000, s31;
	s1 =	sadd.s32 s1, s30  }
0xc1: {  	s0 =	sor.u32 s3, s0;
	s1 =	sshll.u32 s1, $0x11  }
0xc2: {  	s0 =	sor.u32 s1, s0  }
0xc3: {  	s0 =	sadd.s32 $0x8F2B, s0  }
0xc4: {  	[sflag:s0] =	ssyncadd.remote.s32 $0x1  }
0xc5: {  	_ =	sfence.sel $0xFFFF  }
0xc6: {  	[dreg:$0x0] =	wrdreg $0xFFFFFFFF;
	(pc) =	sbr.abs _section_cstart, $3  }
0xc7: {  	[dreg:$0x1] =	wrdreg $0xFFFFFFFF  }
0xc8: {  	_ =	task.clear_ibuf [dreg:s9], $0x2FFFF;
	_ =	strace $0x9FFFFFFF  }
0xc9: {  	(tm) =	ssettm $0x7FFFFFFF  }
tec
execute0_lowered:
.L_overlay_start_1:
0x0: {  	(tag) =	ssettag $0x1  }
0x1: {  	s1 =	rddreg [dreg:$0x0]  }
0x2: {  	s2 =	srdreg.scid;
	s4 =	rddreg [dreg:$0x1]  }
0x3: {  	s0 =	stileid.u32;
	s5 =	rddreg [dreg:$0x2]  }
0x4: {  	s3 =	simm.s32 $0x0;
	s19 =	simm.s32 $0x900;
	s20 =	simm.s32 $0x1100  }
0x5: {  	s21 =	simm.s32 $0x1900;
	s23 =	simm.s32 $0x2100;
	s24 =	simm.s32 $0x2900  }
0x6: {  	s25 =	simm.s32 $0x3100;
	s26 =	simm.s32 $0x3900;
	s8 =	simm.s32 $0x4900  }
0x7: {  	s9 =	simm.s32 $0x5100;
	s10 =	simm.s32 $0x5900;
	s11 =	simm.s32 $0x6100  }
0x8: {  	s12 =	simm.s32 $0x6900;
	s13 =	simm.s32 $0x7100;
	[smem:$0x7FF] =	sst s3  }
0x9: {  	s14 =	simm.s32 $0x7900;
	_ =	strace $0x80000047;
	[dreg:$0x6] =	wrdreg s19  }
0xa: {  	s15 =	simm.s32 $0x8100;
	s16 =	simm.s32 $0x8900;
	[dreg:$0x7] =	wrdreg s20  }
0xb: {  	s17 =	simm.s32 $0x9100;
	s28 =	simm.s32 $0xE100;
	[dreg:$0x8] =	wrdreg s21  }
0xc: {  	s29 =	simm.s32 $0xE900;
	s30 =	simm.s32 $0xF100;
	[dreg:$0x9] =	wrdreg s23  }
0xd: {  	s31 =	simm.s32 $0xF900;
	s2 =	sand.u32 $0x1, s2;
	[dreg:$0xa] =	wrdreg s24  }
0xe: {  	s6 =	sshll.u32 s0, $0x9;
	s7 =	sshll.u32 s2, $0x8;
	[dreg:$0xb] =	wrdreg s25  }
0xf: {  	s2 =	ssub.s32 $0x2, s2;
	[dreg:$0xc] =	wrdreg s26;
	s19 =	simm.s32 $0xA100  }
0x10: {  	s20 =	simm.s32 $0xA900;
	s21 =	simm.s32 $0xB100;
	s23 =	simm.s32 $0xC100  }
0x11: {  	s24 =	simm.s32 $0xC900;
	s25 =	simm.s32 $0xD100;
	s6 =	sor.u32 s7, s6  }
0x12: {  	s26 =	simm.s32 $0xD900;
	s22 =	sshrl.u32 s2, $0x1;
	s7 =	sshrl.u32 s6, $0x3  }
0x13: {  	s6 =	sshll.u32 s6, $0x5;
	s2 =	ssub.s32 s2, s22;
	s4 =	sadd.s32 s4, s7  }
0x14: {  	v2 =	vlaneseq.u32;
	s22 =	simm.s32 $0xB900;
	s18 =	sadd.s32 s5, s6;
	[dreg:$0x4] =	wrdreg s4  }
0x15: {  	vm0 =	vmmov $0xffff;
	v1 =	vshrl.u32 v2, $0x3;
	s5 =	simm.s32 $0x2;
	s6 =	simm.s32 $0x100;
	[dreg:$0x5] =	wrdreg s18  }
0x16: {  	v0 =	vand.u32 $0x7, v2;
	v2 =	vor.u32 $0x8, v2;
	v1 =	vmul.u32 $0x8, v1;
	s4 =	smax.u32 s2, $0x1;
	s18 =	simm.s32 $0x9900;
	s2 =	simm.s32 $0x1  }
.LBB2_1:
0x17: {  	s0 =	rddreg [dreg:$0x4]  }
0x18: {  	[tilespmem:s3], [sflag:$0x2] =	stream.linear.gather [hbm4b:s0+s3], $0x100, $0x38;
	[tilespmem:$0x10100] =	vst v63  }
0x19: {  	_ =	swait.ge [sflag:s5], $0x100  }
0x1a: {  	[sflag:s5] =	ssyncset.done $0x0  }
0x1b: {  	[sflag:s5] =	ssyncadd.s32 $0xFFFFFF00  }
0x1c: {  	v3 =	vld [tilespmem:$0x0];
	_ =	sdelay $0x4  }
0x1d: {  	v4 =	vshll.u32 v3, $0x1  }
0x1e: {  	v3 =	vand.u32 $0x7, v3;
	v4 =	vand.u32 $0xFFFFFFF0, v4  }
0x1f: {  	v3 =	vor.u32 v3, v4  }
0x20: {  	v4 =	vperm.xlane v3, v0;
	_ =	sdelay $0x1  }
0x21: {  	v3 =	vperm.xlane v3, v2;
	v4 =	vadd.s32 v1, v4;
	_ =	sdelay $0x1  }
0x22: {  	v3 =	vadd.s32 v1, v3;
	_ =	sdelay $0x2  }
0x23: {  	[tilespmem:s6], [sflag:$0x1] =	stream.indirect_vreg.gather [hbm4b:s1+s3], $0x80, v4, vm0, $0xb8;
	[tilespmem:$0x10100] =	vst v63  }
0x24: {  	s7 =	rddreg [dreg:$0x6]  }
0x25: {  	[tilespmem:s7], [sflag:$0x1] =	stream.indirect_vreg.gather [hbm4b:s1+s3], $0x80, v3, vm0, $0xb8;
	[tilespmem:$0x10100] =	vst v63  }
0x26: {  	v3 =	vld [tilespmem:$0x10];
	_ =	sdelay $0x4  }
0x27: {  	v49 =	vshll.u32 v3, $0x1  }
0x28: {  	v3 =	vand.u32 $0x7, v3;
	v4 =	vand.u32 $0xFFFFFFF0, v49  }
0x29: {  	v3 =	vor.u32 v3, v4  }
0x2a: {  	v4 =	vperm.xlane v3, v0;
	_ =	sdelay $0x1  }
0x2b: {  	v3 =	vperm.xlane v3, v2;
	v4 =	vadd.s32 v1, v4;
	_ =	sdelay $0x1  }
0x2c: {  	v3 =	vadd.s32 v1, v3;
	_ =	sdelay $0x1  }
0x2d: {  	s0 =	rddreg [dreg:$0x7]  }
0x2e: {  	[tilespmem:s0], [sflag:$0x1] =	stream.indirect_vreg.gather [hbm4b:s1+s3], $0x80, v4, vm0, $0xb8;
	[tilespmem:$0x10100] =	vst v63  }
0x2f: {  	s7 =	rddreg [dreg:$0x8]  }
0x30: {  	[tilespmem:s7], [sflag:$0x1] =	stream.indirect_vreg.gather [hbm4b:s1+s3], $0x80, v3, vm0, $0xb8;
	[tilespmem:$0x10100] =	vst v63  }
0x31: {  	v3 =	vld [tilespmem:$0x20];
	_ =	sdelay $0x4  }
0x32: {  	v50 =	vshll.u32 v3, $0x1  }
0x33: {  	v3 =	vand.u32 $0x7, v3;
	v4 =	vand.u32 $0xFFFFFFF0, v50  }
0x34: {  	v3 =	vor.u32 v3, v4  }
0x35: {  	v4 =	vperm.xlane v3, v0;
	_ =	sdelay $0x1  }
0x36: {  	v3 =	vperm.xlane v3, v2;
	v4 =	vadd.s32 v1, v4;
	_ =	sdelay $0x1  }
0x37: {  	v3 =	vadd.s32 v1, v3;
	_ =	sdelay $0x1  }
0x38: {  	s0 =	rddreg [dreg:$0x9]  }
0x39: {  	[tilespmem:s0], [sflag:$0x1] =	stream.indirect_vreg.gather [hbm4b:s1+s3], $0x80, v4, vm0, $0xb8;
	[tilespmem:$0x10100] =	vst v63  }
0x3a: {  	s7 =	rddreg [dreg:$0xa]  }
0x3b: {  	[tilespmem:s7], [sflag:$0x1] =	stream.indirect_vreg.gather [hbm4b:s1+s3], $0x80, v3, vm0, $0xb8;
	[tilespmem:$0x10100] =	vst v63  }
0x3c: {  	v3 =	vld [tilespmem:$0x30];
	_ =	sdelay $0x4  }
0x3d: {  	v51 =	vshll.u32 v3, $0x1  }
0x3e: {  	v3 =	vand.u32 $0x7, v3;
	v4 =	vand.u32 $0xFFFFFFF0, v51  }
0x3f: {  	v3 =	vor.u32 v3, v4  }
0x40: {  	v4 =	vperm.xlane v3, v0;
	_ =	sdelay $0x1  }
0x41: {  	v3 =	vperm.xlane v3, v2;
	v4 =	vadd.s32 v1, v4;
	_ =	sdelay $0x1  }
0x42: {  	v3 =	vadd.s32 v1, v3;
	_ =	sdelay $0x1  }
0x43: {  	s0 =	rddreg [dreg:$0xb]  }
0x44: {  	[tilespmem:s0], [sflag:$0x1] =	stream.indirect_vreg.gather [hbm4b:s1+s3], $0x80, v4, vm0, $0xb8;
	[tilespmem:$0x10100] =	vst v63  }
0x45: {  	s7 =	rddreg [dreg:$0xc]  }
0x46: {  	[tilespmem:s7], [sflag:$0x1] =	stream.indirect_vreg.gather [hbm4b:s1+s3], $0x80, v3, vm0, $0xb8;
	[tilespmem:$0x10100] =	vst v63  }
0x47: {  	v3 =	vld [tilespmem:$0x40];
	_ =	sdelay $0x4  }
0x48: {  	v52 =	vshll.u32 v3, $0x1  }
0x49: {  	v3 =	vand.u32 $0x7, v3;
	v4 =	vand.u32 $0xFFFFFFF0, v52  }
0x4a: {  	v3 =	vor.u32 v3, v4  }
0x4b: {  	v4 =	vperm.xlane v3, v0;
	_ =	sdelay $0x1  }
0x4c: {  	v3 =	vperm.xlane v3, v2;
	v4 =	vadd.s32 v1, v4;
	_ =	sdelay $0x1  }
0x4d: {  	v3 =	vadd.s32 v1, v3;
	_ =	sdelay $0x1  }
0x4e: {  	s7 =	simm.s32 $0x4100  }
0x4f: {  	[tilespmem:s7], [sflag:$0x1] =	stream.indirect_vreg.gather [hbm4b:s1+s3], $0x80, v4, vm0, $0xb8;
	[tilespmem:$0x10100] =	vst v63  }
0x50: {  	_ = 	snop  }
0x51: {  	[tilespmem:s8], [sflag:$0x1] =	stream.indirect_vreg.gather [hbm4b:s1+s3], $0x80, v3, vm0, $0xb8;
	[tilespmem:$0x10100] =	vst v63  }
0x52: {  	v3 =	vld [tilespmem:$0x50];
	_ =	sdelay $0x4  }
0x53: {  	v53 =	vshll.u32 v3, $0x1  }
0x54: {  	v3 =	vand.u32 $0x7, v3;
	v4 =	vand.u32 $0xFFFFFFF0, v53  }
0x55: {  	v3 =	vor.u32 v3, v4  }
0x56: {  	v4 =	vperm.xlane v3, v0;
	_ =	sdelay $0x1  }
0x57: {  	v3 =	vperm.xlane v3, v2;
	v4 =	vadd.s32 v1, v4;
	_ =	sdelay $0x1  }
0x58: {  	v3 =	vadd.s32 v1, v3;
	_ =	sdelay $0x2  }
0x59: {  	[tilespmem:s9], [sflag:$0x1] =	stream.indirect_vreg.gather [hbm4b:s1+s3], $0x80, v4, vm0, $0xb8;
	[tilespmem:$0x10100] =	vst v63  }
0x5a: {  	_ = 	snop  }
0x5b: {  	[tilespmem:s10], [sflag:$0x1] =	stream.indirect_vreg.gather [hbm4b:s1+s3], $0x80, v3, vm0, $0xb8;
	[tilespmem:$0x10100] =	vst v63  }
0x5c: {  	v3 =	vld [tilespmem:$0x60];
	_ =	sdelay $0x4  }
0x5d: {  	v54 =	vshll.u32 v3, $0x1  }
0x5e: {  	v3 =	vand.u32 $0x7, v3;
	v4 =	vand.u32 $0xFFFFFFF0, v54  }
0x5f: {  	v3 =	vor.u32 v3, v4  }
0x60: {  	v4 =	vperm.xlane v3, v0;
	_ =	sdelay $0x1  }
0x61: {  	v3 =	vperm.xlane v3, v2;
	v4 =	vadd.s32 v1, v4;
	_ =	sdelay $0x1  }
0x62: {  	v3 =	vadd.s32 v1, v3;
	_ =	sdelay $0x2  }
0x63: {  	[tilespmem:s11], [sflag:$0x1] =	stream.indirect_vreg.gather [hbm4b:s1+s3], $0x80, v4, vm0, $0xb8;
	[tilespmem:$0x10100] =	vst v63  }
0x64: {  	_ = 	snop  }
0x65: {  	[tilespmem:s12], [sflag:$0x1] =	stream.indirect_vreg.gather [hbm4b:s1+s3], $0x80, v3, vm0, $0xb8;
	[tilespmem:$0x10100] =	vst v63  }
0x66: {  	v3 =	vld [tilespmem:$0x70];
	_ =	sdelay $0x4  }
0x67: {  	v55 =	vshll.u32 v3, $0x1  }
0x68: {  	v3 =	vand.u32 $0x7, v3;
	v4 =	vand.u32 $0xFFFFFFF0, v55  }
0x69: {  	v3 =	vor.u32 v3, v4  }
0x6a: {  	v4 =	vperm.xlane v3, v0;
	_ =	sdelay $0x1  }
0x6b: {  	v3 =	vperm.xlane v3, v2;
	v4 =	vadd.s32 v1, v4;
	_ =	sdelay $0x1  }
0x6c: {  	v3 =	vadd.s32 v1, v3;
	_ =	sdelay $0x2  }
0x6d: {  	[tilespmem:s13], [sflag:$0x1] =	stream.indirect_vreg.gather [hbm4b:s1+s3], $0x80, v4, vm0, $0xb8;
	[tilespmem:$0x10100] =	vst v63  }
0x6e: {  	_ = 	snop  }
0x6f: {  	[tilespmem:s14], [sflag:$0x1] =	stream.indirect_vreg.gather [hbm4b:s1+s3], $0x80, v3, vm0, $0xb8;
	[tilespmem:$0x10100] =	vst v63  }
0x70: {  	v3 =	vld [tilespmem:$0x80];
	_ =	sdelay $0x4  }
0x71: {  	v56 =	vshll.u32 v3, $0x1  }
0x72: {  	v3 =	vand.u32 $0x7, v3;
	v4 =	vand.u32 $0xFFFFFFF0, v56  }
0x73: {  	v3 =	vor.u32 v3, v4  }
0x74: {  	v4 =	vperm.xlane v3, v0;
	_ =	sdelay $0x1  }
0x75: {  	v3 =	vperm.xlane v3, v2;
	v4 =	vadd.s32 v1, v4;
	_ =	sdelay $0x1  }
0x76: {  	v3 =	vadd.s32 v1, v3;
	_ =	sdelay $0x2  }
0x77: {  	[tilespmem:s15], [sflag:$0x1] =	stream.indirect_vreg.gather [hbm4b:s1+s3], $0x80, v4, vm0, $0xb8;
	[tilespmem:$0x10100] =	vst v63  }
0x78: {  	_ = 	snop  }
0x79: {  	[tilespmem:s16], [sflag:$0x1] =	stream.indirect_vreg.gather [hbm4b:s1+s3], $0x80, v3, vm0, $0xb8;
	[tilespmem:$0x10100] =	vst v63  }
0x7a: {  	v3 =	vld [tilespmem:$0x90];
	_ =	sdelay $0x4  }
0x7b: {  	v57 =	vshll.u32 v3, $0x1  }
0x7c: {  	v3 =	vand.u32 $0x7, v3;
	v4 =	vand.u32 $0xFFFFFFF0, v57  }
0x7d: {  	v3 =	vor.u32 v3, v4  }
0x7e: {  	v4 =	vperm.xlane v3, v0;
	_ =	sdelay $0x1  }
0x7f: {  	v3 =	vperm.xlane v3, v2;
	v4 =	vadd.s32 v1, v4;
	_ =	sdelay $0x1  }
0x80: {  	v3 =	vadd.s32 v1, v3;
	_ =	sdelay $0x2  }
0x81: {  	[tilespmem:s17], [sflag:$0x1] =	stream.indirect_vreg.gather [hbm4b:s1+s3], $0x80, v4, vm0, $0xb8;
	[tilespmem:$0x10100] =	vst v63  }
0x82: {  	_ = 	snop  }
0x83: {  	[tilespmem:s18], [sflag:$0x1] =	stream.indirect_vreg.gather [hbm4b:s1+s3], $0x80, v3, vm0, $0xb8;
	[tilespmem:$0x10100] =	vst v63  }
0x84: {  	v3 =	vld [tilespmem:$0xA0];
	_ =	sdelay $0x4  }
0x85: {  	v58 =	vshll.u32 v3, $0x1  }
0x86: {  	v3 =	vand.u32 $0x7, v3;
	v4 =	vand.u32 $0xFFFFFFF0, v58  }
0x87: {  	v3 =	vor.u32 v3, v4  }
0x88: {  	v4 =	vperm.xlane v3, v0;
	_ =	sdelay $0x1  }
0x89: {  	v3 =	vperm.xlane v3, v2;
	v4 =	vadd.s32 v1, v4;
	_ =	sdelay $0x1  }
0x8a: {  	v3 =	vadd.s32 v1, v3;
	_ =	sdelay $0x2  }
0x8b: {  	[tilespmem:s19], [sflag:$0x1] =	stream.indirect_vreg.gather [hbm4b:s1+s3], $0x80, v4, vm0, $0xb8;
	[tilespmem:$0x10100] =	vst v63  }
0x8c: {  	_ = 	snop  }
0x8d: {  	[tilespmem:s20], [sflag:$0x1] =	stream.indirect_vreg.gather [hbm4b:s1+s3], $0x80, v3, vm0, $0xb8;
	[tilespmem:$0x10100] =	vst v63  }
0x8e: {  	v3 =	vld [tilespmem:$0xB0];
	_ =	sdelay $0x4  }
0x8f: {  	v59 =	vshll.u32 v3, $0x1  }
0x90: {  	v3 =	vand.u32 $0x7, v3;
	v4 =	vand.u32 $0xFFFFFFF0, v59  }
0x91: {  	v3 =	vor.u32 v3, v4  }
0x92: {  	v4 =	vperm.xlane v3, v0;
	_ =	sdelay $0x1  }
0x93: {  	v3 =	vperm.xlane v3, v2;
	v4 =	vadd.s32 v1, v4;
	_ =	sdelay $0x1  }
0x94: {  	v3 =	vadd.s32 v1, v3;
	_ =	sdelay $0x2  }
0x95: {  	[tilespmem:s21], [sflag:$0x1] =	stream.indirect_vreg.gather [hbm4b:s1+s3], $0x80, v4, vm0, $0xb8;
	[tilespmem:$0x10100] =	vst v63  }
0x96: {  	_ = 	snop  }
0x97: {  	[tilespmem:s22], [sflag:$0x1] =	stream.indirect_vreg.gather [hbm4b:s1+s3], $0x80, v3, vm0, $0xb8;
	[tilespmem:$0x10100] =	vst v63  }
0x98: {  	v3 =	vld [tilespmem:$0xC0];
	_ =	sdelay $0x4  }
0x99: {  	v60 =	vshll.u32 v3, $0x1  }
0x9a: {  	v3 =	vand.u32 $0x7, v3;
	v4 =	vand.u32 $0xFFFFFFF0, v60  }
0x9b: {  	v3 =	vor.u32 v3, v4  }
0x9c: {  	v4 =	vperm.xlane v3, v0;
	_ =	sdelay $0x1  }
0x9d: {  	v3 =	vperm.xlane v3, v2;
	v4 =	vadd.s32 v1, v4;
	_ =	sdelay $0x1  }
0x9e: {  	v3 =	vadd.s32 v1, v3;
	_ =	sdelay $0x2  }
0x9f: {  	[tilespmem:s23], [sflag:$0x1] =	stream.indirect_vreg.gather [hbm4b:s1+s3], $0x80, v4, vm0, $0xb8;
	[tilespmem:$0x10100] =	vst v63  }
0xa0: {  	_ = 	snop  }
0xa1: {  	[tilespmem:s24], [sflag:$0x1] =	stream.indirect_vreg.gather [hbm4b:s1+s3], $0x80, v3, vm0, $0xb8;
	[tilespmem:$0x10100] =	vst v63  }
0xa2: {  	v3 =	vld [tilespmem:$0xD0];
	_ =	sdelay $0x4  }
0xa3: {  	v61 =	vshll.u32 v3, $0x1  }
0xa4: {  	v3 =	vand.u32 $0x7, v3;
	v4 =	vand.u32 $0xFFFFFFF0, v61  }
0xa5: {  	v3 =	vor.u32 v3, v4  }
0xa6: {  	v4 =	vperm.xlane v3, v0;
	_ =	sdelay $0x1  }
0xa7: {  	v3 =	vperm.xlane v3, v2;
	v4 =	vadd.s32 v1, v4;
	_ =	sdelay $0x1  }
0xa8: {  	v3 =	vadd.s32 v1, v3;
	_ =	sdelay $0x2  }
0xa9: {  	[tilespmem:s25], [sflag:$0x1] =	stream.indirect_vreg.gather [hbm4b:s1+s3], $0x80, v4, vm0, $0xb8;
	[tilespmem:$0x10100] =	vst v63  }
0xaa: {  	_ = 	snop  }
0xab: {  	[tilespmem:s26], [sflag:$0x1] =	stream.indirect_vreg.gather [hbm4b:s1+s3], $0x80, v3, vm0, $0xb8;
	[tilespmem:$0x10100] =	vst v63  }
0xac: {  	v3 =	vld [tilespmem:$0xE0];
	_ =	sdelay $0x4  }
0xad: {  	v62 =	vshll.u32 v3, $0x1  }
0xae: {  	v3 =	vand.u32 $0x7, v3;
	v4 =	vand.u32 $0xFFFFFFF0, v62  }
0xaf: {  	v3 =	vor.u32 v3, v4  }
0xb0: {  	v4 =	vperm.xlane v3, v0;
	_ =	sdelay $0x1  }
0xb1: {  	v3 =	vperm.xlane v3, v2;
	v4 =	vadd.s32 v1, v4;
	_ =	sdelay $0x1  }
0xb2: {  	v3 =	vadd.s32 v1, v3;
	_ =	sdelay $0x2  }
0xb3: {  	[tilespmem:s28], [sflag:$0x1] =	stream.indirect_vreg.gather [hbm4b:s1+s3], $0x80, v4, vm0, $0xb8;
	[tilespmem:$0x10100] =	vst v63  }
0xb4: {  	_ = 	snop  }
0xb5: {  	[tilespmem:s29], [sflag:$0x1] =	stream.indirect_vreg.gather [hbm4b:s1+s3], $0x80, v3, vm0, $0xb8;
	[tilespmem:$0x10100] =	vst v63  }
0xb6: {  	v3 =	vld [tilespmem:$0xF0];
	_ =	sdelay $0x4  }
0xb7: {  	v63 =	vshll.u32 v3, $0x1  }
0xb8: {  	v3 =	vand.u32 $0x7, v3;
	v4 =	vand.u32 $0xFFFFFFF0, v63  }
0xb9: {  	v3 =	vor.u32 v3, v4  }
0xba: {  	v4 =	vperm.xlane v3, v0;
	_ =	sdelay $0x1  }
0xbb: {  	v3 =	vperm.xlane v3, v2;
	v4 =	vadd.s32 v1, v4;
	_ =	sdelay $0x1  }
0xbc: {  	v3 =	vadd.s32 v1, v3;
	_ =	sdelay $0x2  }
0xbd: {  	[tilespmem:s30], [sflag:$0x1] =	stream.indirect_vreg.gather [hbm4b:s1+s3], $0x80, v4, vm0, $0xb8;
	[tilespmem:$0x10100] =	vst v63  }
0xbe: {  	_ = 	snop  }
0xbf: {  	[tilespmem:s31], [sflag:$0x1] =	stream.indirect_vreg.gather [hbm4b:s1+s3], $0x80, v3, vm0, $0xb8;
	[tilespmem:$0x10100] =	vst v63  }
0xc0: {  	_ =	swait.ge [sflag:s2], $0x10000  }
0xc1: {  	p0 =	sne.s32 s4, $0x1;
	[sflag:s2] =	ssyncset.done $0x0  }
.Ltmp0:
0xc2: {  	s7 =	rddreg [dreg:$0x5];
	[sflag:s2] =	ssyncadd.s32 $0xFFFF0000;
	(pc) =	sbr.rel @p0 .LBB2_1-.Ltmp0, $4  }
0xc3: {  	[hbm4b:s7+s3] =	stream.linear.scatter [tilespmem:s6], [sflag:$0x2], $0x10000, $0x38;
	[tilespmem:$0x10100] =	vst v63  }
0xc4: {  	_ =	swait.ge [sflag:s5], $0x10000  }
0xc5: {  	[sflag:s5] =	ssyncset.done $0x0  }
0xc6: {  	s4 =	sadd.s32 $0xFFFFFFFF, s4;
	[sflag:s5] =	ssyncadd.s32 $0xFFFF0000  }
0xc7: {  	_ =	sfence.sel $0x180000  }
0xc8: {  	[bflag:$0x0] =	sbarrier.arrive $0xFFFF  }
0xc9: {  	_ =	strace $0x90000047  }
0xca: {  	s0 =	stileid.u32;
	[bflag:$0x2] =	sbarrier.arrive $0xFFFF  }
0xcb: {  	p0 =	sne.s32 s0, $0x0;
	s0 =	rddreg [dreg:$0x3]  }
0xcc: {  	s0 =	sadd.s32 @!p0 $0x100000, s0  }
0xcd: {  	[sflag:s0] =	ssyncadd.tile.s32 @!p0 $0x1;
	_ =	shalt  }
.Lfunc_end2:
_tile_overlayer_lowered:
.L_overlay_start_2:
0xce: {  	(tag) =	ssettag $0x2  }
0xcf: {  	s0 =	rddreg [dreg:$0x0];
	s2 =	stileid.u32  }
0xd0: {  	s1 =	rddreg [dreg:$0x1];
	p0 =	sne.s32 s2, $0x0  }
0xd1: {  	s3 =	rddreg [dreg:$0x2];
	[bflag:$0x3] =	sbarrier.arrive $0xFFFF;
	s2 =	simm.s32 @!p0 $0x1C02  }
0xd2: {  	[timem:s3], [sflag:s2] =	dma.local @!p0 [hbm:s0], s1  }
0xd3: {  	s0 =	simm.s32 @!p0 $0x2  }
0xd4: {  	_ =	swait.ge @!p0 [sflag:s0], s1  }
0xd5: {  	s1 =	ssub.s32 @!p0 $0x0, s1;
	[sflag:s0] =	ssyncset.done @!p0 $0x0  }
0xd6: {  	[sflag:s0] =	ssyncadd.s32 @!p0 s1  }
0xd7: {  	[bflag:$0x3] =	sbarrier.arrive $0xFFFF  }
0xd8: {  	_ =	shalt  }

</sc_bundles>
